<compile_context>
chip_gen: v7x
topology: tpu7x:2x2x1
jax: 0.10.2.dev20260603
libtpu: 0.0.44.dev20260713+nightly
codegen_flags: <defaults>
</compile_context>

<pallas_src>
import functools

import jax
import jax.numpy as jnp
from jax import lax
from jax.experimental import pallas as pl
from jax.experimental.pallas import tpu as pltpu
from jax.experimental.pallas import tpu_sc as plsc

_FOV = 5.0
_SBIN = 25
_C_KMS = 299792.458
_H0 = 70.0
_OMEGA_M = 0.3
_ARCSEC_RAD = 3.141592653589793 / (180.0 * 3600.0)

_N = 5_000_000
_CHUNK = 10000
_NCHUNKS = _N // _CHUNK
_NWORKERS = 32


def _dg(src, idx):
    return lax.gather(
        src, idx[:, None],
        lax.GatherDimensionNumbers(
            offset_dims=(), collapsed_slice_dims=(0,), start_index_map=(0,)),
        slice_sizes=(1,), mode=lax.GatherScatterMode.PROMISE_IN_BOUNDS)


def _inv_ez(zi):
    t = 1.0 + zi
    u = _OMEGA_M * (t * t * t) + (1.0 - _OMEGA_M)
    w = jnp.full((16,), 1.0, dtype=jnp.float32)
    for _ in range(4):
        w = 0.5 * (w + u / w)
    return 1.0 / w


def _sc_body(z_hbm, x_hbm, y_hbm, out_hbm, zbuf,
             xb0, yb0, ob0, xb1, yb1, ob1,
             xs0, ys0, os0, xs1, ys1, os1):
    wid = lax.axis_index("s") * 2 + lax.axis_index("c")
    pltpu.sync_copy(z_hbm, zbuf)
    zv = zbuf[pl.ds(0, 16)]
    it = lax.iota(jnp.int32, 16)

    zstep = zv * (1.0 / 256.0)

    def integ_body(j, acc):
        i = j * 16 + it
        zi = i.astype(jnp.float32) * zstep
        f = _inv_ez(zi)
        return acc + jnp.where(i <= 256, f, 0.0)

    acc = lax.fori_loop(0, 17, integ_body, jnp.zeros((16,), jnp.float32))
    for sh in (8, 4, 2, 1):
        acc = acc + _dg(acc, (it + sh) & 15)
    total = acc - 0.5 - 0.5 * _inv_ez(zv)
    integ = total * zstep
    d_a = (_C_KMS / _H0) * integ / (1.0 + zv)
    aperture = _FOV * d_a * 1000.0 * _ARCSEC_RAD
    scale = _SBIN / aperture

    nch = jnp.where(wid < _NCHUNKS - 32 * (_NCHUNKS // 32), 1, 0) + _NCHUNKS // 32

    def cbase(t):
        return (wid + 32 * t) * _CHUNK

    def start_in(t, xb, yb, xs, ys):
        pltpu.async_copy(x_hbm.at[pl.ds(cbase(t), _CHUNK)], xb, xs)
        pltpu.async_copy(y_hbm.at[pl.ds(cbase(t), _CHUNK)], yb, ys)

    def wait_in(t, xb, yb, xs, ys):
        pltpu.make_async_copy(x_hbm.at[pl.ds(cbase(t), _CHUNK)], xb, xs).wait()
        pltpu.make_async_copy(y_hbm.at[pl.ds(cbase(t), _CHUNK)], yb, ys).wait()

    def compute(xb, yb, ob):
        @plsc.parallel_loop(0, _CHUNK, step=16, unroll=25)
        def vec_body(i):
            x = xb[pl.ds(i, 16)]
            y = yb[pl.ds(i, 16)]
            fx = jnp.minimum(jnp.maximum(x * scale + 12.5, 0.0), 24.5)
            fy = jnp.minimum(jnp.maximum(y * scale + 12.5, 0.0), 24.5)
            ix = fx.astype(jnp.int32)
            iy = fy.astype(jnp.int32)
            ob[pl.ds(i, 16)] = (iy * _SBIN + ix).astype(jnp.float32)

    def start_out(t, ob, osem):
        pltpu.async_copy(ob, out_hbm.at[pl.ds(cbase(t), _CHUNK)], osem)

    def wait_out(t, ob, osem):
        pltpu.make_async_copy(ob, out_hbm.at[pl.ds(cbase(t), _CHUNK)], osem).wait()

    start_in(0, xb0, yb0, xs0, ys0)
    npairs = (nch + 1) // 2

    def pair_body(p, _):
        t0 = 2 * p
        t1 = t0 + 1

        @pl.when(t1 < nch)
        def _():
            start_in(t1, xb1, yb1, xs1, ys1)

        wait_in(t0, xb0, yb0, xs0, ys0)

        @pl.when(p > 0)
        def _():
            wait_out(2 * (p - 1), ob0, os0)

        compute(xb0, yb0, ob0)
        start_out(t0, ob0, os0)

        @pl.when(t0 + 2 < nch)
        def _():
            start_in(t0 + 2, xb0, yb0, xs0, ys0)

        @pl.when(t1 < nch)
        def _():
            wait_in(t1, xb1, yb1, xs1, ys1)

            @pl.when(p > 0)
            def _():
                wait_out(2 * (p - 1) + 1, ob1, os1)

            compute(xb1, yb1, ob1)
            start_out(t1, ob1, os1)

        return 0

    lax.fori_loop(0, npairs, pair_body, 0)

    wait_out(2 * (npairs - 1), ob0, os0)
    wait_out((nch // 2) * 2 - 1, ob1, os1)


def kernel(coords, galaxy_dist_z):
    zvec = jnp.broadcast_to(jnp.squeeze(galaxy_dist_z), (16,)).astype(jnp.float32)
    x = coords[:, 0]
    y = coords[:, 1]

    mesh = plsc.VectorSubcoreMesh(core_axis_name="c", subcore_axis_name="s")
    run = functools.partial(
        pl.kernel,
        mesh=mesh,
        compiler_params=pltpu.CompilerParams(use_tc_tiling_on_sc=True),
        out_type=jax.ShapeDtypeStruct((_N,), jnp.float32),
        scratch_types=[
            pltpu.VMEM((16,), jnp.float32),
            pltpu.VMEM((_CHUNK,), jnp.float32),
            pltpu.VMEM((_CHUNK,), jnp.float32),
            pltpu.VMEM((_CHUNK,), jnp.float32),
            pltpu.VMEM((_CHUNK,), jnp.float32),
            pltpu.VMEM((_CHUNK,), jnp.float32),
            pltpu.VMEM((_CHUNK,), jnp.float32),
            pltpu.SemaphoreType.DMA,
            pltpu.SemaphoreType.DMA,
            pltpu.SemaphoreType.DMA,
            pltpu.SemaphoreType.DMA,
            pltpu.SemaphoreType.DMA,
            pltpu.SemaphoreType.DMA,
        ],
    )(_sc_body)
    return run(zvec, x, y)

# --- scband reference (transcript-rebuilt; emitter-appended) ---
"""Pipeline reference for scband-base-telescope-35785667510864 (READ-ONLY COPY).

The authoritative reference and input builder live on the scoring server;
editing this copy changes nothing except your own understanding.
"""

import jax, jax.numpy as jnp
import numpy as np

FOV = 5.0
SBIN = 25
C_KMS = 299792.458
H0 = 70.0
OMEGA_M = 0.3


def _comoving_distance_mpc(z):
    # flat LCDM comoving distance via fixed-grid trapezoid integration (RubixCosmology stand-in)
    zs = jnp.linspace(0.0, 1.0, 257) * z
    inv_ez = 1.0 / jnp.sqrt(OMEGA_M * (1.0 + zs) ** 3 + (1.0 - OMEGA_M))
    dz = zs[1:] - zs[:-1]
    integ = jnp.sum(0.5 * (inv_ez[1:] + inv_ez[:-1]) * dz)
    return (C_KMS / H0) * integ


def _angular_scale_kpc_per_arcsec(z):
    d_a_mpc = _comoving_distance_mpc(z) / (1.0 + z)
    arcsec_in_rad = jnp.pi / (180.0 * 3600.0)
    return d_a_mpc * 1000.0 * arcsec_in_rad  # kpc per arcsec


def _calculate_spatial_bin_edges(fov, spatial_bins, dist_z):
    ang = _angular_scale_kpc_per_arcsec(dist_z)
    aperture_size = fov * ang
    edges = jnp.linspace(-aperture_size / 2.0, aperture_size / 2.0, spatial_bins + 1)
    bin_size = aperture_size / spatial_bins
    return edges, bin_size


def _square_spaxel_assignment(coords, edges):
    nb = edges.shape[0] - 1
    c = jax.lax.stop_gradient(coords)
    e = jax.lax.stop_gradient(edges)
    x_idx = jnp.clip(jnp.digitize(c[:, 0], e) - 1, 0, nb - 1)
    y_idx = jnp.clip(jnp.digitize(c[:, 1], e) - 1, 0, nb - 1)
    pixel_positions = x_idx + nb * y_idx
    return pixel_positions.astype(jnp.float32)


def setup_inputs(seed: int = 0) -> dict:
    key = jax.random.key(seed)
    k1, k2 = jax.random.split(key)
    coords = jax.random.normal(k1, (5000000, 3), dtype=jnp.float32) * 3.0  # kpc
    galaxy_dist_z = jax.random.uniform(k2, (1,), dtype=jnp.float32, minval=0.05, maxval=0.15)
    return {"coords": coords, "galaxy_dist_z": galaxy_dist_z}


def reference(coords, galaxy_dist_z):
    z = jnp.squeeze(galaxy_dist_z)
    edges, _ = _calculate_spatial_bin_edges(FOV, SBIN, z)
    return _square_spaxel_assignment(coords, edges)

if __name__ == "__main__":
    import jax
    _d = setup_inputs()
    print(jax.jit(kernel)(*tuple(_d.values())))

</pallas_src>

<mosaic_0001>
#map = affine_map<(d0, d1) -> (0)>
module attributes {stable_mosaic.version = 14 : i64} {
  func.func @_sc_body(%arg0: i32, %arg1: i32, %arg2: memref<16xf32, #tpu.memory_space<hbm>>, %arg3: memref<5000000xf32, #tpu.memory_space<hbm>>, %arg4: memref<5000000xf32, #tpu.memory_space<hbm>>, %arg5: memref<5000000xf32, #tpu.memory_space<hbm>>, %arg6: memref<16xf32, #tpu.memory_space<vmem>>, %arg7: memref<10000xf32, #tpu.memory_space<vmem>>, %arg8: memref<10000xf32, #tpu.memory_space<vmem>>, %arg9: memref<10000xf32, #tpu.memory_space<vmem>>, %arg10: memref<10000xf32, #tpu.memory_space<vmem>>, %arg11: memref<10000xf32, #tpu.memory_space<vmem>>, %arg12: memref<10000xf32, #tpu.memory_space<vmem>>, %arg13: memref<!tpu.dma_semaphore, #tpu.memory_space<semaphore_mem>>, %arg14: memref<!tpu.dma_semaphore, #tpu.memory_space<semaphore_mem>>, %arg15: memref<!tpu.dma_semaphore, #tpu.memory_space<semaphore_mem>>, %arg16: memref<!tpu.dma_semaphore, #tpu.memory_space<semaphore_mem>>, %arg17: memref<!tpu.dma_semaphore, #tpu.memory_space<semaphore_mem>>, %arg18: memref<!tpu.dma_semaphore, #tpu.memory_space<semaphore_mem>>) attributes {dimension_semantics = [#tpu.dimension_semantics<core_parallel>, #tpu.dimension_semantics<subcore_parallel>], iteration_bounds = array<i64: 2, 16>, scalar_prefetch = 0 : i64, scratch_operands = 13 : i64, tpu.core_type = #tpu.core_type<sc_vector_subcore>, window_params = [{transform_indices = #map}, {transform_indices = #map}, {transform_indices = #map}, {transform_indices = #map}]} {
    %mul3A = arith.constant 2 : i32
    %mul3A_0 = arith.muli %arg1, %mul3A : i32
    %add3A = arith.addi %mul3A_0, %arg0 : i32
    "tpu.region"() ({
      %run_scoped3A = tpu.sem_alloc : memref<!tpu.dma_semaphore, #tpu.memory_space<semaphore_mem>>
      tpu.enqueue_dma source(%arg2 : memref<16xf32, #tpu.memory_space<hbm>>) target(%arg6 : memref<16xf32, #tpu.memory_space<vmem>>) target_semaphore(%run_scoped3A : memref<!tpu.dma_semaphore, #tpu.memory_space<semaphore_mem>>)
      tpu.wait_dma2 semaphore(%run_scoped3A : memref<!tpu.dma_semaphore, #tpu.memory_space<semaphore_mem>>) src(%arg2 : memref<16xf32, #tpu.memory_space<hbm>>) dst(%arg6 : memref<16xf32, #tpu.memory_space<vmem>>)
      tpu.yield
    }) : () -> ()
    %get3A = arith.constant 0 : index
    %get3A_1 = tpu.vector_load %arg6[%get3A] {strides = array<i32>} : memref<16xf32, #tpu.memory_space<vmem>>, vector<16xf32>,
    %get3A_2 = vector.shape_cast %get3A_1 : vector<16xf32> to vector<16xf32>
    %iota3A = tpu.iota {dimensions = array<i32: 0>} : vector<16xi32>
    %mul3A_3 = arith.constant 3.906250e-03 : f32
    %mul3A_4 = vector.broadcast %mul3A_3 : f32 to vector<16xf32>
    %mul3A_5 = arith.mulf %get3A_2, %mul3A_4 : vector<16xf32>
    %broadcast_in_dim3A = arith.constant 0.000000e+00 : f32
    %broadcast_in_dim3A_6 = vector.broadcast %broadcast_in_dim3A : f32 to vector<16xf32>
    %scan3A = arith.constant 0 : i32
    %scan3A_7 = arith.constant 17 : i32
    %scan3A_8 = arith.addi %scan3A, %scan3A_7 : i32
    %scan3A_9 = arith.constant 1 : i32
    %scan3A_10 = scf.for %scan3A_205 = %scan3A to %scan3A_8 step %scan3A_9 iter_args(%scan3A_206 = %broadcast_in_dim3A_6) -> (vector<16xf32>)  : i32 {
      %mul3A_207 = arith.constant 16 : i32
      %mul3A_208 = arith.muli %scan3A_205, %mul3A_207 : i32
      %add3A_209 = vector.broadcast %mul3A_208 : i32 to vector<16xi32>
      %add3A_210 = arith.addi %add3A_209, %iota3A : vector<16xi32>
      %convert_element_type3A = arith.sitofp %add3A_210 : vector<16xi32> to vector<16xf32>
      %mul3A_211 = arith.mulf %convert_element_type3A, %mul3A_5 : vector<16xf32>
      %add3A_212 = arith.constant 1.000000e+00 : f32
      %add3A_213 = vector.broadcast %add3A_212 : f32 to vector<16xf32>
      %add3A_214 = arith.addf %add3A_213, %mul3A_211 : vector<16xf32>
      %mul3A_215 = arith.mulf %add3A_214, %add3A_214 : vector<16xf32>
      %mul3A_216 = arith.mulf %mul3A_215, %add3A_214 : vector<16xf32>
      %mul3A_217 = arith.constant 3.000000e-01 : f32
      %mul3A_218 = vector.broadcast %mul3A_217 : f32 to vector<16xf32>
      %mul3A_219 = arith.mulf %mul3A_218, %mul3A_216 : vector<16xf32>
      %add3A_220 = arith.constant 0.699999988 : f32
      %add3A_221 = vector.broadcast %add3A_220 : f32 to vector<16xf32>
      %add3A_222 = arith.addf %mul3A_219, %add3A_221 : vector<16xf32>
      %broadcast_in_dim3A_223 = arith.constant 1.000000e+00 : f32
      %broadcast_in_dim3A_224 = vector.broadcast %broadcast_in_dim3A_223 : f32 to vector<16xf32>
      %div3A_225 = arith.divf %add3A_222, %broadcast_in_dim3A_224 : vector<16xf32>
      %add3A_226 = arith.addf %broadcast_in_dim3A_224, %div3A_225 : vector<16xf32>
      %mul3A_227 = arith.constant 5.000000e-01 : f32
      %mul3A_228 = vector.broadcast %mul3A_227 : f32 to vector<16xf32>
      %mul3A_229 = arith.mulf %mul3A_228, %add3A_226 : vector<16xf32>
      %div3A_230 = arith.divf %add3A_222, %mul3A_229 : vector<16xf32>
      %add3A_231 = arith.addf %mul3A_229, %div3A_230 : vector<16xf32>
      %mul3A_232 = arith.constant 5.000000e-01 : f32
      %mul3A_233 = vector.broadcast %mul3A_232 : f32 to vector<16xf32>
      %mul3A_234 = arith.mulf %mul3A_233, %add3A_231 : vector<16xf32>
      %div3A_235 = arith.divf %add3A_222, %mul3A_234 : vector<16xf32>
      %add3A_236 = arith.addf %mul3A_234, %div3A_235 : vector<16xf32>
      %mul3A_237 = arith.constant 5.000000e-01 : f32
      %mul3A_238 = vector.broadcast %mul3A_237 : f32 to vector<16xf32>
      %mul3A_239 = arith.mulf %mul3A_238, %add3A_236 : vector<16xf32>
      %div3A_240 = arith.divf %add3A_222, %mul3A_239 : vector<16xf32>
      %add3A_241 = arith.addf %mul3A_239, %div3A_240 : vector<16xf32>
      %mul3A_242 = arith.constant 5.000000e-01 : f32
      %mul3A_243 = vector.broadcast %mul3A_242 : f32 to vector<16xf32>
      %mul3A_244 = arith.mulf %mul3A_243, %add3A_241 : vector<16xf32>
      %div3A_245 = arith.constant 1.000000e+00 : f32
      %div3A_246 = vector.broadcast %div3A_245 : f32 to vector<16xf32>
      %div3A_247 = arith.divf %div3A_246, %mul3A_244 : vector<16xf32>
      %le3A = arith.constant 256 : i32
      %le3A_248 = vector.broadcast %le3A : i32 to vector<16xi32>
      %le3A_249 = arith.cmpi sle, %add3A_210, %le3A_248 : vector<16xi32>
      %jit3A_250 = arith.constant 0.000000e+00 : f32
      %broadcast_in_dim3A_251 = vector.broadcast %jit3A_250 : f32 to vector<16xf32>
      %select_n3A_252 = arith.select %le3A_249, %div3A_247, %broadcast_in_dim3A_251 : vector<16xi1>, vector<16xf32>
      %add3A_253 = arith.addf %scan3A_206, %select_n3A_252 : vector<16xf32>
      scf.yield %add3A_253 : vector<16xf32>
    }
    %scan3A_11 = arith.constant 17 : i32
    %add3A_12 = arith.constant 8 : i32
    %add3A_13 = vector.broadcast %add3A_12 : i32 to vector<16xi32>
    %add3A_14 = arith.addi %iota3A, %add3A_13 : vector<16xi32>
    %and3A = arith.constant 15 : i32
    %and3A_15 = vector.broadcast %and3A : i32 to vector<16xi32>
    %and3A_16 = arith.andi %add3A_14, %and3A_15 : vector<16xi32>
    %broadcast_in_dim3A_17 = vector.shape_cast %and3A_16 : vector<16xi32> to vector<16x1xi32>
    %gather3A = vector.shape_cast %broadcast_in_dim3A_17 : vector<16x1xi32> to vector<16xi32>
    %gather3A_18 = tpu.dynamic_gather %scan3A_10[%gather3A] in [0] : vector<16xf32>, vector<16xi32> -> vector<16xf32>
    %add3A_19 = arith.addf %scan3A_10, %gather3A_18 : vector<16xf32>
    %add3A_20 = arith.constant 4 : i32
    %add3A_21 = vector.broadcast %add3A_20 : i32 to vector<16xi32>
    %add3A_22 = arith.addi %iota3A, %add3A_21 : vector<16xi32>
    %and3A_23 = arith.constant 15 : i32
    %and3A_24 = vector.broadcast %and3A_23 : i32 to vector<16xi32>
    %and3A_25 = arith.andi %add3A_22, %and3A_24 : vector<16xi32>
    %broadcast_in_dim3A_26 = vector.shape_cast %and3A_25 : vector<16xi32> to vector<16x1xi32>
    %gather3A_27 = vector.shape_cast %broadcast_in_dim3A_26 : vector<16x1xi32> to vector<16xi32>
    %gather3A_28 = tpu.dynamic_gather %add3A_19[%gather3A_27] in [0] : vector<16xf32>, vector<16xi32> -> vector<16xf32>
    %add3A_29 = arith.addf %add3A_19, %gather3A_28 : vector<16xf32>
    %add3A_30 = arith.constant 2 : i32
    %add3A_31 = vector.broadcast %add3A_30 : i32 to vector<16xi32>
    %add3A_32 = arith.addi %iota3A, %add3A_31 : vector<16xi32>
    %and3A_33 = arith.constant 15 : i32
    %and3A_34 = vector.broadcast %and3A_33 : i32 to vector<16xi32>
    %and3A_35 = arith.andi %add3A_32, %and3A_34 : vector<16xi32>
    %broadcast_in_dim3A_36 = vector.shape_cast %and3A_35 : vector<16xi32> to vector<16x1xi32>
    %gather3A_37 = vector.shape_cast %broadcast_in_dim3A_36 : vector<16x1xi32> to vector<16xi32>
    %gather3A_38 = tpu.dynamic_gather %add3A_29[%gather3A_37] in [0] : vector<16xf32>, vector<16xi32> -> vector<16xf32>
    %add3A_39 = arith.addf %add3A_29, %gather3A_38 : vector<16xf32>
    %add3A_40 = arith.constant 1 : i32
    %add3A_41 = vector.broadcast %add3A_40 : i32 to vector<16xi32>
    %add3A_42 = arith.addi %iota3A, %add3A_41 : vector<16xi32>
    %and3A_43 = arith.constant 15 : i32
    %and3A_44 = vector.broadcast %and3A_43 : i32 to vector<16xi32>
    %and3A_45 = arith.andi %add3A_42, %and3A_44 : vector<16xi32>
    %broadcast_in_dim3A_46 = vector.shape_cast %and3A_45 : vector<16xi32> to vector<16x1xi32>
    %gather3A_47 = vector.shape_cast %broadcast_in_dim3A_46 : vector<16x1xi32> to vector<16xi32>
    %gather3A_48 = tpu.dynamic_gather %add3A_39[%gather3A_47] in [0] : vector<16xf32>, vector<16xi32> -> vector<16xf32>
    %add3A_49 = arith.addf %add3A_39, %gather3A_48 : vector<16xf32>
    %sub3A = arith.constant 5.000000e-01 : f32
    %sub3A_50 = vector.broadcast %sub3A : f32 to vector<16xf32>
    %sub3A_51 = arith.subf %add3A_49, %sub3A_50 : vector<16xf32>
    %add3A_52 = arith.constant 1.000000e+00 : f32
    %add3A_53 = vector.broadcast %add3A_52 : f32 to vector<16xf32>
    %add3A_54 = arith.addf %add3A_53, %get3A_2 : vector<16xf32>
    %mul3A_55 = arith.mulf %add3A_54, %add3A_54 : vector<16xf32>
    %mul3A_56 = arith.mulf %mul3A_55, %add3A_54 : vector<16xf32>
    %mul3A_57 = arith.constant 3.000000e-01 : f32
    %mul3A_58 = vector.broadcast %mul3A_57 : f32 to vector<16xf32>
    %mul3A_59 = arith.mulf %mul3A_58, %mul3A_56 : vector<16xf32>
    %add3A_60 = arith.constant 0.699999988 : f32
    %add3A_61 = vector.broadcast %add3A_60 : f32 to vector<16xf32>
    %add3A_62 = arith.addf %mul3A_59, %add3A_61 : vector<16xf32>
    %broadcast_in_dim3A_63 = arith.constant 1.000000e+00 : f32
    %broadcast_in_dim3A_64 = vector.broadcast %broadcast_in_dim3A_63 : f32 to vector<16xf32>
    %div3A = arith.divf %add3A_62, %broadcast_in_dim3A_64 : vector<16xf32>
    %add3A_65 = arith.addf %broadcast_in_dim3A_64, %div3A : vector<16xf32>
    %mul3A_66 = arith.constant 5.000000e-01 : f32
    %mul3A_67 = vector.broadcast %mul3A_66 : f32 to vector<16xf32>
    %mul3A_68 = arith.mulf %mul3A_67, %add3A_65 : vector<16xf32>
    %div3A_69 = arith.divf %add3A_62, %mul3A_68 : vector<16xf32>
    %add3A_70 = arith.addf %mul3A_68, %div3A_69 : vector<16xf32>
    %mul3A_71 = arith.constant 5.000000e-01 : f32
    %mul3A_72 = vector.broadcast %mul3A_71 : f32 to vector<16xf32>
    %mul3A_73 = arith.mulf %mul3A_72, %add3A_70 : vector<16xf32>
    %div3A_74 = arith.divf %add3A_62, %mul3A_73 : vector<16xf32>
    %add3A_75 = arith.addf %mul3A_73, %div3A_74 : vector<16xf32>
    %mul3A_76 = arith.constant 5.000000e-01 : f32
    %mul3A_77 = vector.broadcast %mul3A_76 : f32 to vector<16xf32>
    %mul3A_78 = arith.mulf %mul3A_77, %add3A_75 : vector<16xf32>
    %div3A_79 = arith.divf %add3A_62, %mul3A_78 : vector<16xf32>
    %add3A_80 = arith.addf %mul3A_78, %div3A_79 : vector<16xf32>
    %mul3A_81 = arith.constant 5.000000e-01 : f32
    %mul3A_82 = vector.broadcast %mul3A_81 : f32 to vector<16xf32>
    %mul3A_83 = arith.mulf %mul3A_82, %add3A_80 : vector<16xf32>
    %div3A_84 = arith.constant 1.000000e+00 : f32
    %div3A_85 = vector.broadcast %div3A_84 : f32 to vector<16xf32>
    %div3A_86 = arith.divf %div3A_85, %mul3A_83 : vector<16xf32>
    %mul3A_87 = arith.constant 5.000000e-01 : f32
    %mul3A_88 = vector.broadcast %mul3A_87 : f32 to vector<16xf32>
    %mul3A_89 = arith.mulf %mul3A_88, %div3A_86 : vector<16xf32>
    %sub3A_90 = arith.subf %sub3A_51, %mul3A_89 : vector<16xf32>
    %mul3A_91 = arith.mulf %sub3A_90, %mul3A_5 : vector<16xf32>
    %mul3A_92 = arith.constant 4282.74951 : f32
    %mul3A_93 = vector.broadcast %mul3A_92 : f32 to vector<16xf32>
    %mul3A_94 = arith.mulf %mul3A_93, %mul3A_91 : vector<16xf32>
    %add3A_95 = arith.constant 1.000000e+00 : f32
    %add3A_96 = vector.broadcast %add3A_95 : f32 to vector<16xf32>
    %add3A_97 = arith.addf %add3A_96, %get3A_2 : vector<16xf32>
    %div3A_98 = arith.divf %mul3A_94, %add3A_97 : vector<16xf32>
    %mul3A_99 = arith.constant 5.000000e+00 : f32
    %mul3A_100 = vector.broadcast %mul3A_99 : f32 to vector<16xf32>
    %mul3A_101 = arith.mulf %mul3A_100, %div3A_98 : vector<16xf32>
    %mul3A_102 = arith.constant 1.000000e+03 : f32
    %mul3A_103 = vector.broadcast %mul3A_102 : f32 to vector<16xf32>
    %mul3A_104 = arith.mulf %mul3A_101, %mul3A_103 : vector<16xf32>
    %mul3A_105 = arith.constant 4.848137E-6 : f32
    %mul3A_106 = vector.broadcast %mul3A_105 : f32 to vector<16xf32>
    %mul3A_107 = arith.mulf %mul3A_104, %mul3A_106 : vector<16xf32>
    %div3A_108 = arith.constant 2.500000e+01 : f32
    %div3A_109 = vector.broadcast %div3A_108 : f32 to vector<16xf32>
    %div3A_110 = arith.divf %div3A_109, %mul3A_107 : vector<16xf32>
    %lt3A = arith.constant 20 : i32
    %lt3A_111 = arith.cmpi slt, %add3A, %lt3A : i32
    %jit3A = arith.constant 1 : i32
    %jit3A_112 = arith.constant 0 : i32
    %select_n3A = arith.select %lt3A_111, %jit3A, %jit3A_112 : i32
    %add3A_113 = arith.constant 15 : i32
    %add3A_114 = arith.addi %select_n3A, %add3A_113 : i32
    %add3A_115 = arith.constant 0 : i32
    %add3A_116 = arith.addi %add3A, %add3A_115 : i32
    %mul3A_117 = arith.constant 10000 : i32
    %mul3A_118 = arith.muli %add3A_116, %mul3A_117 : i32
    %dma_start3A = tpu.memref_slice %arg3[%mul3A_118] : memref<5000000xf32, #tpu.memory_space<hbm>> -> memref<10000xf32, #tpu.memory_space<hbm>>
    %dma_start3A_119 = tpu.memref_slice %arg3[%mul3A_118] : memref<5000000xf32, #tpu.memory_space<hbm>> -> memref<10000xf32, #tpu.memory_space<hbm>>
    tpu.enqueue_dma source(%dma_start3A_119 : memref<10000xf32, #tpu.memory_space<hbm>>) target(%arg7 : memref<10000xf32, #tpu.memory_space<vmem>>) target_semaphore(%arg13 : memref<!tpu.dma_semaphore, #tpu.memory_space<semaphore_mem>>)
    %add3A_120 = arith.constant 0 : i32
    %add3A_121 = arith.addi %add3A, %add3A_120 : i32
    %mul3A_122 = arith.constant 10000 : i32
    %mul3A_123 = arith.muli %add3A_121, %mul3A_122 : i32
    %dma_start3A_124 = tpu.memref_slice %arg4[%mul3A_123] : memref<5000000xf32, #tpu.memory_space<hbm>> -> memref<10000xf32, #tpu.memory_space<hbm>>
    %dma_start3A_125 = tpu.memref_slice %arg4[%mul3A_123] : memref<5000000xf32, #tpu.memory_space<hbm>> -> memref<10000xf32, #tpu.memory_space<hbm>>
    tpu.enqueue_dma source(%dma_start3A_125 : memref<10000xf32, #tpu.memory_space<hbm>>) target(%arg8 : memref<10000xf32, #tpu.memory_space<vmem>>) target_semaphore(%arg14 : memref<!tpu.dma_semaphore, #tpu.memory_space<semaphore_mem>>)
    %add3A_126 = arith.constant 1 : i32
    %add3A_127 = arith.addi %add3A_114, %add3A_126 : i32
    %jit3A_128 = arith.constant 2 : i32
    %div3A_129 = arith.divsi %add3A_127, %jit3A_128 : i32
    %sign3A = arith.constant 0 : i32
    %sign3A_130 = arith.cmpi sgt, %add3A_127, %sign3A : i32
    %sign3A_131 = arith.extui %sign3A_130 : i1 to i32
    %sign3A_132 = arith.constant 0 : i32
    %sign3A_133 = arith.cmpi slt, %add3A_127, %sign3A_132 : i32
    %sign3A_134 = arith.extui %sign3A_133 : i1 to i32
    %sign3A_135 = arith.subi %sign3A_131, %sign3A_134 : i32
    %sign3A_136 = arith.constant 0 : i32
    %sign3A_137 = arith.cmpi sgt, %jit3A_128, %sign3A_136 : i32
    %sign3A_138 = arith.extui %sign3A_137 : i1 to i32
    %sign3A_139 = arith.constant 0 : i32
    %sign3A_140 = arith.cmpi slt, %jit3A_128, %sign3A_139 : i32
    %sign3A_141 = arith.extui %sign3A_140 : i1 to i32
    %sign3A_142 = arith.subi %sign3A_138, %sign3A_141 : i32
    %ne3A = arith.cmpi ne, %sign3A_135, %sign3A_142 : i32
    %rem3A = arith.remsi %add3A_127, %jit3A_128 : i32
    %ne3A_143 = arith.constant 0 : i32
    %ne3A_144 = arith.cmpi ne, %rem3A, %ne3A_143 : i32
    %and3A_145 = arith.andi %ne3A, %ne3A_144 : i1
    %sub3A_146 = arith.constant 1 : i32
    %sub3A_147 = arith.subi %div3A_129, %sub3A_146 : i32
    %select_n3A_148 = arith.select %and3A_145, %sub3A_147, %div3A_129 : i32
    %while3A = arith.constant 0 : i32
    %while3A_149 = arith.constant 0 : i32
    %while3A_150 = arith.subi %select_n3A_148, %while3A : i32
    %while3A_151 = arith.addi %while3A, %while3A_150 : i32
    %while3A_152 = arith.constant 1 : i32
    %while3A_153 = arith.divsi %while3A_150, %while3A_152 : i32
    %while3A_154 = arith.muli %while3A_153, %while3A_152 : i32
    %while3A_155 = arith.addi %while3A, %while3A_154 : i32
    %while3A_156 = arith.constant 1 : i32
    %while3A_157 = scf.for %while3A_205 = %while3A to %while3A_155 step %while3A_156 iter_args(%while3A_206 = %while3A_149) -> (i32)  : i32 {
      %mul3A_207 = arith.constant 2 : i32
      %mul3A_208 = arith.muli %mul3A_207, %while3A_205 : i32
      %add3A_209 = arith.constant 1 : i32
      %add3A_210 = arith.addi %mul3A_208, %add3A_209 : i32
      %lt3A_211 = arith.cmpi slt, %add3A_210, %add3A_114 : i32
      %convert_element_type3A = arith.extui %lt3A_211 : i1 to i32
      %cond3A = arith.constant 0 : i32
      %cond3A_212 = arith.cmpi ne, %convert_element_type3A, %cond3A : i32
      scf.if %cond3A_212 {
        %mul3A_251 = arith.constant 32 : i32
        %mul3A_252 = arith.muli %mul3A_251, %add3A_210 : i32
        %add3A_253 = arith.addi %add3A, %mul3A_252 : i32
        %mul3A_254 = arith.constant 10000 : i32
        %mul3A_255 = arith.muli %add3A_253, %mul3A_254 : i32
        %dma_start3A_256 = tpu.memref_slice %arg3[%mul3A_255] : memref<5000000xf32, #tpu.memory_space<hbm>> -> memref<10000xf32, #tpu.memory_space<hbm>>
        %dma_start3A_257 = tpu.memref_slice %arg3[%mul3A_255] : memref<5000000xf32, #tpu.memory_space<hbm>> -> memref<10000xf32, #tpu.memory_space<hbm>>
        tpu.enqueue_dma source(%dma_start3A_257 : memref<10000xf32, #tpu.memory_space<hbm>>) target(%arg10 : memref<10000xf32, #tpu.memory_space<vmem>>) target_semaphore(%arg16 : memref<!tpu.dma_semaphore, #tpu.memory_space<semaphore_mem>>)
        %mul3A_258 = arith.constant 32 : i32
        %mul3A_259 = arith.muli %mul3A_258, %add3A_210 : i32
        %add3A_260 = arith.addi %add3A, %mul3A_259 : i32
        %mul3A_261 = arith.constant 10000 : i32
        %mul3A_262 = arith.muli %add3A_260, %mul3A_261 : i32
        %dma_start3A_263 = tpu.memref_slice %arg4[%mul3A_262] : memref<5000000xf32, #tpu.memory_space<hbm>> -> memref<10000xf32, #tpu.memory_space<hbm>>
        %dma_start3A_264 = tpu.memref_slice %arg4[%mul3A_262] : memref<5000000xf32, #tpu.memory_space<hbm>> -> memref<10000xf32, #tpu.memory_space<hbm>>
        tpu.enqueue_dma source(%dma_start3A_264 : memref<10000xf32, #tpu.memory_space<hbm>>) target(%arg11 : memref<10000xf32, #tpu.memory_space<vmem>>) target_semaphore(%arg17 : memref<!tpu.dma_semaphore, #tpu.memory_space<semaphore_mem>>)
      } else {
      }
      %mul3A_213 = arith.constant 32 : i32
      %mul3A_214 = arith.muli %mul3A_213, %mul3A_208 : i32
      %add3A_215 = arith.addi %add3A, %mul3A_214 : i32
      %mul3A_216 = arith.constant 10000 : i32
      %mul3A_217 = arith.muli %add3A_215, %mul3A_216 : i32
      %dma_wait3A_218 = tpu.memref_slice %arg3[%mul3A_217] : memref<5000000xf32, #tpu.memory_space<hbm>> -> memref<10000xf32, #tpu.memory_space<hbm>>
      %dma_wait3A_219 = tpu.memref_slice %arg3[%mul3A_217] : memref<5000000xf32, #tpu.memory_space<hbm>> -> memref<10000xf32, #tpu.memory_space<hbm>>
      tpu.wait_dma2 semaphore(%arg13 : memref<!tpu.dma_semaphore, #tpu.memory_space<semaphore_mem>>) src(%dma_wait3A_219 : memref<10000xf32, #tpu.memory_space<hbm>>) dst(%arg7 : memref<10000xf32, #tpu.memory_space<vmem>>)
      %mul3A_220 = arith.constant 32 : i32
      %mul3A_221 = arith.muli %mul3A_220, %mul3A_208 : i32
      %add3A_222 = arith.addi %add3A, %mul3A_221 : i32
      %mul3A_223 = arith.constant 10000 : i32
      %mul3A_224 = arith.muli %add3A_222, %mul3A_223 : i32
      %dma_wait3A_225 = tpu.memref_slice %arg4[%mul3A_224] : memref<5000000xf32, #tpu.memory_space<hbm>> -> memref<10000xf32, #tpu.memory_space<hbm>>
      %dma_wait3A_226 = tpu.memref_slice %arg4[%mul3A_224] : memref<5000000xf32, #tpu.memory_space<hbm>> -> memref<10000xf32, #tpu.memory_space<hbm>>
      tpu.wait_dma2 semaphore(%arg14 : memref<!tpu.dma_semaphore, #tpu.memory_space<semaphore_mem>>) src(%dma_wait3A_226 : memref<10000xf32, #tpu.memory_space<hbm>>) dst(%arg8 : memref<10000xf32, #tpu.memory_space<vmem>>)
      %gt3A = arith.constant 0 : i32
      %gt3A_227 = arith.cmpi sgt, %while3A_205, %gt3A : i32
      %convert_element_type3A_228 = arith.extui %gt3A_227 : i1 to i32
      %cond3A_229 = arith.constant 0 : i32
      %cond3A_230 = arith.cmpi ne, %convert_element_type3A_228, %cond3A_229 : i32
      scf.if %cond3A_230 {
        %sub3A_251 = arith.constant 1 : i32
        %sub3A_252 = arith.subi %while3A_205, %sub3A_251 : i32
        %mul3A_253 = arith.constant 2 : i32
        %mul3A_254 = arith.muli %mul3A_253, %sub3A_252 : i32
        %mul3A_255 = arith.constant 32 : i32
        %mul3A_256 = arith.muli %mul3A_255, %mul3A_254 : i32
        %add3A_257 = arith.addi %add3A, %mul3A_256 : i32
        %mul3A_258 = arith.constant 10000 : i32
        %mul3A_259 = arith.muli %add3A_257, %mul3A_258 : i32
        %dma_wait3A_260 = tpu.memref_slice %arg5[%mul3A_259] : memref<5000000xf32, #tpu.memory_space<hbm>> -> memref<10000xf32, #tpu.memory_space<hbm>>
        %dma_wait3A_261 = tpu.memref_slice %arg5[%mul3A_259] : memref<5000000xf32, #tpu.memory_space<hbm>> -> memref<10000xf32, #tpu.memory_space<hbm>>
        tpu.wait_dma2 semaphore(%arg15 : memref<!tpu.dma_semaphore, #tpu.memory_space<semaphore_mem>>) src(%arg9 : memref<10000xf32, #tpu.memory_space<vmem>>) dst(%dma_wait3A_261 : memref<10000xf32, #tpu.memory_space<hbm>>)
      } else {
      }
      %parallel_loop3A = arith.constant 0 : i32
      %parallel_loop3A_231 = arith.constant 10000 : i32
      %parallel_loop3A_232 = arith.constant 16 : i32
      scf.for %parallel_loop3A_251 = %parallel_loop3A to %parallel_loop3A_231 step %parallel_loop3A_232  : i32 {
        %parallel_loop3A_252 = arith.index_cast %parallel_loop3A_251 : i32 to index
        %parallel_loop3A_253 = tpu.vector_load %arg7[%parallel_loop3A_252] {strides = array<i32>} : memref<10000xf32, #tpu.memory_space<vmem>>, vector<16xf32>,
        %parallel_loop3A_254 = vector.shape_cast %parallel_loop3A_253 : vector<16xf32> to vector<16xf32>
        %parallel_loop3A_255 = arith.index_cast %parallel_loop3A_251 : i32 to index
        %parallel_loop3A_256 = tpu.vector_load %arg8[%parallel_loop3A_255] {strides = array<i32>} : memref<10000xf32, #tpu.memory_space<vmem>>, vector<16xf32>,
        %parallel_loop3A_257 = vector.shape_cast %parallel_loop3A_256 : vector<16xf32> to vector<16xf32>
        %parallel_loop3A_258 = arith.mulf %parallel_loop3A_254, %div3A_110 : vector<16xf32>
        %parallel_loop3A_259 = arith.constant 1.250000e+01 : f32
        %parallel_loop3A_260 = vector.broadcast %parallel_loop3A_259 : f32 to vector<16xf32>
        %parallel_loop3A_261 = arith.addf %parallel_loop3A_258, %parallel_loop3A_260 : vector<16xf32>
        %parallel_loop3A_262 = arith.constant 0.000000e+00 : f32
        %parallel_loop3A_263 = vector.broadcast %parallel_loop3A_262 : f32 to vector<16xf32>
        %parallel_loop3A_264 = arith.maximumf %parallel_loop3A_261, %parallel_loop3A_263 : vector<16xf32>
        %parallel_loop3A_265 = arith.constant 2.450000e+01 : f32
        %parallel_loop3A_266 = vector.broadcast %parallel_loop3A_265 : f32 to vector<16xf32>
        %parallel_loop3A_267 = arith.minimumf %parallel_loop3A_264, %parallel_loop3A_266 : vector<16xf32>
        %parallel_loop3A_268 = arith.mulf %parallel_loop3A_257, %div3A_110 : vector<16xf32>
        %parallel_loop3A_269 = arith.constant 1.250000e+01 : f32
        %parallel_loop3A_270 = vector.broadcast %parallel_loop3A_269 : f32 to vector<16xf32>
        %parallel_loop3A_271 = arith.addf %parallel_loop3A_268, %parallel_loop3A_270 : vector<16xf32>
        %parallel_loop3A_272 = arith.constant 0.000000e+00 : f32
        %parallel_loop3A_273 = vector.broadcast %parallel_loop3A_272 : f32 to vector<16xf32>
        %parallel_loop3A_274 = arith.maximumf %parallel_loop3A_271, %parallel_loop3A_273 : vector<16xf32>
        %parallel_loop3A_275 = arith.constant 2.450000e+01 : f32
        %parallel_loop3A_276 = vector.broadcast %parallel_loop3A_275 : f32 to vector<16xf32>
        %parallel_loop3A_277 = arith.minimumf %parallel_loop3A_274, %parallel_loop3A_276 : vector<16xf32>
        %parallel_loop3A_278 = arith.fptosi %parallel_loop3A_267 : vector<16xf32> to vector<16xi32>
        %parallel_loop3A_279 = arith.fptosi %parallel_loop3A_277 : vector<16xf32> to vector<16xi32>
        %parallel_loop3A_280 = arith.constant 25 : i32
        %parallel_loop3A_281 = vector.broadcast %parallel_loop3A_280 : i32 to vector<16xi32>
        %parallel_loop3A_282 = arith.muli %parallel_loop3A_279, %parallel_loop3A_281 : vector<16xi32>
        %parallel_loop3A_283 = arith.addi %parallel_loop3A_282, %parallel_loop3A_278 : vector<16xi32>
        %parallel_loop3A_284 = arith.sitofp %parallel_loop3A_283 : vector<16xi32> to vector<16xf32>
        %parallel_loop3A_285 = arith.index_cast %parallel_loop3A_251 : i32 to index
        %parallel_loop3A_286 = tpu.vector_load %arg9[%parallel_loop3A_285] {strides = array<i32>} : memref<10000xf32, #tpu.memory_space<vmem>>, vector<16xf32>,
        %parallel_loop3A_287 = vector.shape_cast %parallel_loop3A_286 : vector<16xf32> to vector<16xf32>
        %parallel_loop3A_288 = vector.shape_cast %parallel_loop3A_284 : vector<16xf32> to vector<16xf32>
        tpu.vector_store %arg9[%parallel_loop3A_285], %parallel_loop3A_288 {strides = array<i32>} : memref<10000xf32, #tpu.memory_space<vmem>>, vector<16xf32>,
      } {sc.loop_unroll_factor = 25 : i64, sc.parallel_access}
      %mul3A_233 = arith.constant 32 : i32
      %mul3A_234 = arith.muli %mul3A_233, %mul3A_208 : i32
      %add3A_235 = arith.addi %add3A, %mul3A_234 : i32
      %mul3A_236 = arith.constant 10000 : i32
      %mul3A_237 = arith.muli %add3A_235, %mul3A_236 : i32
      %dma_start3A_238 = tpu.memref_slice %arg5[%mul3A_237] : memref<5000000xf32, #tpu.memory_space<hbm>> -> memref<10000xf32, #tpu.memory_space<hbm>>
      %dma_start3A_239 = tpu.memref_slice %arg5[%mul3A_237] : memref<5000000xf32, #tpu.memory_space<hbm>> -> memref<10000xf32, #tpu.memory_space<hbm>>
      tpu.enqueue_dma source(%arg9 : memref<10000xf32, #tpu.memory_space<vmem>>) target(%dma_start3A_239 : memref<10000xf32, #tpu.memory_space<hbm>>) target_semaphore(%arg15 : memref<!tpu.dma_semaphore, #tpu.memory_space<semaphore_mem>>)
      %add3A_240 = arith.constant 2 : i32
      %add3A_241 = arith.addi %mul3A_208, %add3A_240 : i32
      %lt3A_242 = arith.cmpi slt, %add3A_241, %add3A_114 : i32
      %convert_element_type3A_243 = arith.extui %lt3A_242 : i1 to i32
      %cond3A_244 = arith.constant 0 : i32
      %cond3A_245 = arith.cmpi ne, %convert_element_type3A_243, %cond3A_244 : i32
      scf.if %cond3A_245 {
        %add3A_251 = arith.constant 2 : i32
        %add3A_252 = arith.addi %mul3A_208, %add3A_251 : i32
        %mul3A_253 = arith.constant 32 : i32
        %mul3A_254 = arith.muli %mul3A_253, %add3A_252 : i32
        %add3A_255 = arith.addi %add3A, %mul3A_254 : i32
        %mul3A_256 = arith.constant 10000 : i32
        %mul3A_257 = arith.muli %add3A_255, %mul3A_256 : i32
        %dma_start3A_258 = tpu.memref_slice %arg3[%mul3A_257] : memref<5000000xf32, #tpu.memory_space<hbm>> -> memref<10000xf32, #tpu.memory_space<hbm>>
        %dma_start3A_259 = tpu.memref_slice %arg3[%mul3A_257] : memref<5000000xf32, #tpu.memory_space<hbm>> -> memref<10000xf32, #tpu.memory_space<hbm>>
        tpu.enqueue_dma source(%dma_start3A_259 : memref<10000xf32, #tpu.memory_space<hbm>>) target(%arg7 : memref<10000xf32, #tpu.memory_space<vmem>>) target_semaphore(%arg13 : memref<!tpu.dma_semaphore, #tpu.memory_space<semaphore_mem>>)
        %mul3A_260 = arith.constant 32 : i32
        %mul3A_261 = arith.muli %mul3A_260, %add3A_252 : i32
        %add3A_262 = arith.addi %add3A, %mul3A_261 : i32
        %mul3A_263 = arith.constant 10000 : i32
        %mul3A_264 = arith.muli %add3A_262, %mul3A_263 : i32
        %dma_start3A_265 = tpu.memref_slice %arg4[%mul3A_264] : memref<5000000xf32, #tpu.memory_space<hbm>> -> memref<10000xf32, #tpu.memory_space<hbm>>
        %dma_start3A_266 = tpu.memref_slice %arg4[%mul3A_264] : memref<5000000xf32, #tpu.memory_space<hbm>> -> memref<10000xf32, #tpu.memory_space<hbm>>
        tpu.enqueue_dma source(%dma_start3A_266 : memref<10000xf32, #tpu.memory_space<hbm>>) target(%arg8 : memref<10000xf32, #tpu.memory_space<vmem>>) target_semaphore(%arg14 : memref<!tpu.dma_semaphore, #tpu.memory_space<semaphore_mem>>)
      } else {
      }
      %lt3A_246 = arith.cmpi slt, %add3A_210, %add3A_114 : i32
      %convert_element_type3A_247 = arith.extui %lt3A_246 : i1 to i32
      %cond3A_248 = arith.constant 0 : i32
      %cond3A_249 = arith.cmpi ne, %convert_element_type3A_247, %cond3A_248 : i32
      scf.if %cond3A_249 {
        %mul3A_251 = arith.constant 32 : i32
        %mul3A_252 = arith.muli %mul3A_251, %add3A_210 : i32
        %add3A_253 = arith.addi %add3A, %mul3A_252 : i32
        %mul3A_254 = arith.constant 10000 : i32
        %mul3A_255 = arith.muli %add3A_253, %mul3A_254 : i32
        %dma_wait3A_256 = tpu.memref_slice %arg3[%mul3A_255] : memref<5000000xf32, #tpu.memory_space<hbm>> -> memref<10000xf32, #tpu.memory_space<hbm>>
        %dma_wait3A_257 = tpu.memref_slice %arg3[%mul3A_255] : memref<5000000xf32, #tpu.memory_space<hbm>> -> memref<10000xf32, #tpu.memory_space<hbm>>
        tpu.wait_dma2 semaphore(%arg16 : memref<!tpu.dma_semaphore, #tpu.memory_space<semaphore_mem>>) src(%dma_wait3A_257 : memref<10000xf32, #tpu.memory_space<hbm>>) dst(%arg10 : memref<10000xf32, #tpu.memory_space<vmem>>)
        %mul3A_258 = arith.constant 32 : i32
        %mul3A_259 = arith.muli %mul3A_258, %add3A_210 : i32
        %add3A_260 = arith.addi %add3A, %mul3A_259 : i32
        %mul3A_261 = arith.constant 10000 : i32
        %mul3A_262 = arith.muli %add3A_260, %mul3A_261 : i32
        %dma_wait3A_263 = tpu.memref_slice %arg4[%mul3A_262] : memref<5000000xf32, #tpu.memory_space<hbm>> -> memref<10000xf32, #tpu.memory_space<hbm>>
        %dma_wait3A_264 = tpu.memref_slice %arg4[%mul3A_262] : memref<5000000xf32, #tpu.memory_space<hbm>> -> memref<10000xf32, #tpu.memory_space<hbm>>
        tpu.wait_dma2 semaphore(%arg17 : memref<!tpu.dma_semaphore, #tpu.memory_space<semaphore_mem>>) src(%dma_wait3A_264 : memref<10000xf32, #tpu.memory_space<hbm>>) dst(%arg11 : memref<10000xf32, #tpu.memory_space<vmem>>)
        %gt3A_265 = arith.constant 0 : i32
        %gt3A_266 = arith.cmpi sgt, %while3A_205, %gt3A_265 : i32
        %convert_element_type3A_267 = arith.extui %gt3A_266 : i1 to i32
        %cond3A_268 = arith.constant 0 : i32
        %cond3A_269 = arith.cmpi ne, %convert_element_type3A_267, %cond3A_268 : i32
        scf.if %cond3A_269 {
          %sub3A_280 = arith.constant 1 : i32
          %sub3A_281 = arith.subi %while3A_205, %sub3A_280 : i32
          %mul3A_282 = arith.constant 2 : i32
          %mul3A_283 = arith.muli %mul3A_282, %sub3A_281 : i32
          %add3A_284 = arith.constant 1 : i32
          %add3A_285 = arith.addi %mul3A_283, %add3A_284 : i32
          %mul3A_286 = arith.constant 32 : i32
          %mul3A_287 = arith.muli %mul3A_286, %add3A_285 : i32
          %add3A_288 = arith.addi %add3A, %mul3A_287 : i32
          %mul3A_289 = arith.constant 10000 : i32
          %mul3A_290 = arith.muli %add3A_288, %mul3A_289 : i32
          %dma_wait3A_291 = tpu.memref_slice %arg5[%mul3A_290] : memref<5000000xf32, #tpu.memory_space<hbm>> -> memref<10000xf32, #tpu.memory_space<hbm>>
          %dma_wait3A_292 = tpu.memref_slice %arg5[%mul3A_290] : memref<5000000xf32, #tpu.memory_space<hbm>> -> memref<10000xf32, #tpu.memory_space<hbm>>
          tpu.wait_dma2 semaphore(%arg18 : memref<!tpu.dma_semaphore, #tpu.memory_space<semaphore_mem>>) src(%arg12 : memref<10000xf32, #tpu.memory_space<vmem>>) dst(%dma_wait3A_292 : memref<10000xf32, #tpu.memory_space<hbm>>)
        } else {
        }
        %parallel_loop3A_270 = arith.constant 0 : i32
        %parallel_loop3A_271 = arith.constant 10000 : i32
        %parallel_loop3A_272 = arith.constant 16 : i32
        scf.for %parallel_loop3A_280 = %parallel_loop3A_270 to %parallel_loop3A_271 step %parallel_loop3A_272  : i32 {
          %parallel_loop3A_281 = arith.index_cast %parallel_loop3A_280 : i32 to index
          %parallel_loop3A_282 = tpu.vector_load %arg10[%parallel_loop3A_281] {strides = array<i32>} : memref<10000xf32, #tpu.memory_space<vmem>>, vector<16xf32>,
          %parallel_loop3A_283 = vector.shape_cast %parallel_loop3A_282 : vector<16xf32> to vector<16xf32>
          %parallel_loop3A_284 = arith.index_cast %parallel_loop3A_280 : i32 to index
          %parallel_loop3A_285 = tpu.vector_load %arg11[%parallel_loop3A_284] {strides = array<i32>} : memref<10000xf32, #tpu.memory_space<vmem>>, vector<16xf32>,
          %parallel_loop3A_286 = vector.shape_cast %parallel_loop3A_285 : vector<16xf32> to vector<16xf32>
          %parallel_loop3A_287 = arith.mulf %parallel_loop3A_283, %div3A_110 : vector<16xf32>
          %parallel_loop3A_288 = arith.constant 1.250000e+01 : f32
          %parallel_loop3A_289 = vector.broadcast %parallel_loop3A_288 : f32 to vector<16xf32>
          %parallel_loop3A_290 = arith.addf %parallel_loop3A_287, %parallel_loop3A_289 : vector<16xf32>
          %parallel_loop3A_291 = arith.constant 0.000000e+00 : f32
          %parallel_loop3A_292 = vector.broadcast %parallel_loop3A_291 : f32 to vector<16xf32>
          %parallel_loop3A_293 = arith.maximumf %parallel_loop3A_290, %parallel_loop3A_292 : vector<16xf32>
          %parallel_loop3A_294 = arith.constant 2.450000e+01 : f32
          %parallel_loop3A_295 = vector.broadcast %parallel_loop3A_294 : f32 to vector<16xf32>
          %parallel_loop3A_296 = arith.minimumf %parallel_loop3A_293, %parallel_loop3A_295 : vector<16xf32>
          %parallel_loop3A_297 = arith.mulf %parallel_loop3A_286, %div3A_110 : vector<16xf32>
          %parallel_loop3A_298 = arith.constant 1.250000e+01 : f32
          %parallel_loop3A_299 = vector.broadcast %parallel_loop3A_298 : f32 to vector<16xf32>
          %parallel_loop3A_300 = arith.addf %parallel_loop3A_297, %parallel_loop3A_299 : vector<16xf32>
          %parallel_loop3A_301 = arith.constant 0.000000e+00 : f32
          %parallel_loop3A_302 = vector.broadcast %parallel_loop3A_301 : f32 to vector<16xf32>
          %parallel_loop3A_303 = arith.maximumf %parallel_loop3A_300, %parallel_loop3A_302 : vector<16xf32>
          %parallel_loop3A_304 = arith.constant 2.450000e+01 : f32
          %parallel_loop3A_305 = vector.broadcast %parallel_loop3A_304 : f32 to vector<16xf32>
          %parallel_loop3A_306 = arith.minimumf %parallel_loop3A_303, %parallel_loop3A_305 : vector<16xf32>
          %parallel_loop3A_307 = arith.fptosi %parallel_loop3A_296 : vector<16xf32> to vector<16xi32>
          %parallel_loop3A_308 = arith.fptosi %parallel_loop3A_306 : vector<16xf32> to vector<16xi32>
          %parallel_loop3A_309 = arith.constant 25 : i32
          %parallel_loop3A_310 = vector.broadcast %parallel_loop3A_309 : i32 to vector<16xi32>
          %parallel_loop3A_311 = arith.muli %parallel_loop3A_308, %parallel_loop3A_310 : vector<16xi32>
          %parallel_loop3A_312 = arith.addi %parallel_loop3A_311, %parallel_loop3A_307 : vector<16xi32>
          %parallel_loop3A_313 = arith.sitofp %parallel_loop3A_312 : vector<16xi32> to vector<16xf32>
          %parallel_loop3A_314 = arith.index_cast %parallel_loop3A_280 : i32 to index
          %parallel_loop3A_315 = tpu.vector_load %arg12[%parallel_loop3A_314] {strides = array<i32>} : memref<10000xf32, #tpu.memory_space<vmem>>, vector<16xf32>,
          %parallel_loop3A_316 = vector.shape_cast %parallel_loop3A_315 : vector<16xf32> to vector<16xf32>
          %parallel_loop3A_317 = vector.shape_cast %parallel_loop3A_313 : vector<16xf32> to vector<16xf32>
          tpu.vector_store %arg12[%parallel_loop3A_314], %parallel_loop3A_317 {strides = array<i32>} : memref<10000xf32, #tpu.memory_space<vmem>>, vector<16xf32>,
        } {sc.loop_unroll_factor = 25 : i64, sc.parallel_access}
        %mul3A_273 = arith.constant 32 : i32
        %mul3A_274 = arith.muli %mul3A_273, %add3A_210 : i32
        %add3A_275 = arith.addi %add3A, %mul3A_274 : i32
        %mul3A_276 = arith.constant 10000 : i32
        %mul3A_277 = arith.muli %add3A_275, %mul3A_276 : i32
        %dma_start3A_278 = tpu.memref_slice %arg5[%mul3A_277] : memref<5000000xf32, #tpu.memory_space<hbm>> -> memref<10000xf32, #tpu.memory_space<hbm>>
        %dma_start3A_279 = tpu.memref_slice %arg5[%mul3A_277] : memref<5000000xf32, #tpu.memory_space<hbm>> -> memref<10000xf32, #tpu.memory_space<hbm>>
        tpu.enqueue_dma source(%arg12 : memref<10000xf32, #tpu.memory_space<vmem>>) target(%dma_start3A_279 : memref<10000xf32, #tpu.memory_space<hbm>>) target_semaphore(%arg18 : memref<!tpu.dma_semaphore, #tpu.memory_space<semaphore_mem>>)
      } else {
      }
      %while3A_250 = arith.constant 0 : i32
      scf.yield %while3A_250 : i32
    }
    %while3A_158 = arith.constant 1 : i32
    %while3A_159 = scf.for %while3A_205 = %while3A_155 to %while3A_151 step %while3A_158 iter_args(%while3A_206 = %while3A_157) -> (i32)  : i32 {
      %mul3A_207 = arith.constant 2 : i32
      %mul3A_208 = arith.muli %mul3A_207, %while3A_205 : i32
      %add3A_209 = arith.constant 1 : i32
      %add3A_210 = arith.addi %mul3A_208, %add3A_209 : i32
      %lt3A_211 = arith.cmpi slt, %add3A_210, %add3A_114 : i32
      %convert_element_type3A = arith.extui %lt3A_211 : i1 to i32
      %cond3A = arith.constant 0 : i32
      %cond3A_212 = arith.cmpi ne, %convert_element_type3A, %cond3A : i32
      scf.if %cond3A_212 {
        %mul3A_251 = arith.constant 32 : i32
        %mul3A_252 = arith.muli %mul3A_251, %add3A_210 : i32
        %add3A_253 = arith.addi %add3A, %mul3A_252 : i32
        %mul3A_254 = arith.constant 10000 : i32
        %mul3A_255 = arith.muli %add3A_253, %mul3A_254 : i32
        %dma_start3A_256 = tpu.memref_slice %arg3[%mul3A_255] : memref<5000000xf32, #tpu.memory_space<hbm>> -> memref<10000xf32, #tpu.memory_space<hbm>>
        %dma_start3A_257 = tpu.memref_slice %arg3[%mul3A_255] : memref<5000000xf32, #tpu.memory_space<hbm>> -> memref<10000xf32, #tpu.memory_space<hbm>>
        tpu.enqueue_dma source(%dma_start3A_257 : memref<10000xf32, #tpu.memory_space<hbm>>) target(%arg10 : memref<10000xf32, #tpu.memory_space<vmem>>) target_semaphore(%arg16 : memref<!tpu.dma_semaphore, #tpu.memory_space<semaphore_mem>>)
        %mul3A_258 = arith.constant 32 : i32
        %mul3A_259 = arith.muli %mul3A_258, %add3A_210 : i32
        %add3A_260 = arith.addi %add3A, %mul3A_259 : i32
        %mul3A_261 = arith.constant 10000 : i32
        %mul3A_262 = arith.muli %add3A_260, %mul3A_261 : i32
        %dma_start3A_263 = tpu.memref_slice %arg4[%mul3A_262] : memref<5000000xf32, #tpu.memory_space<hbm>> -> memref<10000xf32, #tpu.memory_space<hbm>>
        %dma_start3A_264 = tpu.memref_slice %arg4[%mul3A_262] : memref<5000000xf32, #tpu.memory_space<hbm>> -> memref<10000xf32, #tpu.memory_space<hbm>>
        tpu.enqueue_dma source(%dma_start3A_264 : memref<10000xf32, #tpu.memory_space<hbm>>) target(%arg11 : memref<10000xf32, #tpu.memory_space<vmem>>) target_semaphore(%arg17 : memref<!tpu.dma_semaphore, #tpu.memory_space<semaphore_mem>>)
      } else {
      }
      %mul3A_213 = arith.constant 32 : i32
      %mul3A_214 = arith.muli %mul3A_213, %mul3A_208 : i32
      %add3A_215 = arith.addi %add3A, %mul3A_214 : i32
      %mul3A_216 = arith.constant 10000 : i32
      %mul3A_217 = arith.muli %add3A_215, %mul3A_216 : i32
      %dma_wait3A_218 = tpu.memref_slice %arg3[%mul3A_217] : memref<5000000xf32, #tpu.memory_space<hbm>> -> memref<10000xf32, #tpu.memory_space<hbm>>
      %dma_wait3A_219 = tpu.memref_slice %arg3[%mul3A_217] : memref<5000000xf32, #tpu.memory_space<hbm>> -> memref<10000xf32, #tpu.memory_space<hbm>>
      tpu.wait_dma2 semaphore(%arg13 : memref<!tpu.dma_semaphore, #tpu.memory_space<semaphore_mem>>) src(%dma_wait3A_219 : memref<10000xf32, #tpu.memory_space<hbm>>) dst(%arg7 : memref<10000xf32, #tpu.memory_space<vmem>>)
      %mul3A_220 = arith.constant 32 : i32
      %mul3A_221 = arith.muli %mul3A_220, %mul3A_208 : i32
      %add3A_222 = arith.addi %add3A, %mul3A_221 : i32
      %mul3A_223 = arith.constant 10000 : i32
      %mul3A_224 = arith.muli %add3A_222, %mul3A_223 : i32
      %dma_wait3A_225 = tpu.memref_slice %arg4[%mul3A_224] : memref<5000000xf32, #tpu.memory_space<hbm>> -> memref<10000xf32, #tpu.memory_space<hbm>>
      %dma_wait3A_226 = tpu.memref_slice %arg4[%mul3A_224] : memref<5000000xf32, #tpu.memory_space<hbm>> -> memref<10000xf32, #tpu.memory_space<hbm>>
      tpu.wait_dma2 semaphore(%arg14 : memref<!tpu.dma_semaphore, #tpu.memory_space<semaphore_mem>>) src(%dma_wait3A_226 : memref<10000xf32, #tpu.memory_space<hbm>>) dst(%arg8 : memref<10000xf32, #tpu.memory_space<vmem>>)
      %gt3A = arith.constant 0 : i32
      %gt3A_227 = arith.cmpi sgt, %while3A_205, %gt3A : i32
      %convert_element_type3A_228 = arith.extui %gt3A_227 : i1 to i32
      %cond3A_229 = arith.constant 0 : i32
      %cond3A_230 = arith.cmpi ne, %convert_element_type3A_228, %cond3A_229 : i32
      scf.if %cond3A_230 {
        %sub3A_251 = arith.constant 1 : i32
        %sub3A_252 = arith.subi %while3A_205, %sub3A_251 : i32
        %mul3A_253 = arith.constant 2 : i32
        %mul3A_254 = arith.muli %mul3A_253, %sub3A_252 : i32
        %mul3A_255 = arith.constant 32 : i32
        %mul3A_256 = arith.muli %mul3A_255, %mul3A_254 : i32
        %add3A_257 = arith.addi %add3A, %mul3A_256 : i32
        %mul3A_258 = arith.constant 10000 : i32
        %mul3A_259 = arith.muli %add3A_257, %mul3A_258 : i32
        %dma_wait3A_260 = tpu.memref_slice %arg5[%mul3A_259] : memref<5000000xf32, #tpu.memory_space<hbm>> -> memref<10000xf32, #tpu.memory_space<hbm>>
        %dma_wait3A_261 = tpu.memref_slice %arg5[%mul3A_259] : memref<5000000xf32, #tpu.memory_space<hbm>> -> memref<10000xf32, #tpu.memory_space<hbm>>
        tpu.wait_dma2 semaphore(%arg15 : memref<!tpu.dma_semaphore, #tpu.memory_space<semaphore_mem>>) src(%arg9 : memref<10000xf32, #tpu.memory_space<vmem>>) dst(%dma_wait3A_261 : memref<10000xf32, #tpu.memory_space<hbm>>)
      } else {
      }
      %parallel_loop3A = arith.constant 0 : i32
      %parallel_loop3A_231 = arith.constant 10000 : i32
      %parallel_loop3A_232 = arith.constant 16 : i32
      scf.for %parallel_loop3A_251 = %parallel_loop3A to %parallel_loop3A_231 step %parallel_loop3A_232  : i32 {
        %parallel_loop3A_252 = arith.index_cast %parallel_loop3A_251 : i32 to index
        %parallel_loop3A_253 = tpu.vector_load %arg7[%parallel_loop3A_252] {strides = array<i32>} : memref<10000xf32, #tpu.memory_space<vmem>>, vector<16xf32>,
        %parallel_loop3A_254 = vector.shape_cast %parallel_loop3A_253 : vector<16xf32> to vector<16xf32>
        %parallel_loop3A_255 = arith.index_cast %parallel_loop3A_251 : i32 to index
        %parallel_loop3A_256 = tpu.vector_load %arg8[%parallel_loop3A_255] {strides = array<i32>} : memref<10000xf32, #tpu.memory_space<vmem>>, vector<16xf32>,
        %parallel_loop3A_257 = vector.shape_cast %parallel_loop3A_256 : vector<16xf32> to vector<16xf32>
        %parallel_loop3A_258 = arith.mulf %parallel_loop3A_254, %div3A_110 : vector<16xf32>
        %parallel_loop3A_259 = arith.constant 1.250000e+01 : f32
        %parallel_loop3A_260 = vector.broadcast %parallel_loop3A_259 : f32 to vector<16xf32>
        %parallel_loop3A_261 = arith.addf %parallel_loop3A_258, %parallel_loop3A_260 : vector<16xf32>
        %parallel_loop3A_262 = arith.constant 0.000000e+00 : f32
        %parallel_loop3A_263 = vector.broadcast %parallel_loop3A_262 : f32 to vector<16xf32>
        %parallel_loop3A_264 = arith.maximumf %parallel_loop3A_261, %parallel_loop3A_263 : vector<16xf32>
        %parallel_loop3A_265 = arith.constant 2.450000e+01 : f32
        %parallel_loop3A_266 = vector.broadcast %parallel_loop3A_265 : f32 to vector<16xf32>
        %parallel_loop3A_267 = arith.minimumf %parallel_loop3A_264, %parallel_loop3A_266 : vector<16xf32>
        %parallel_loop3A_268 = arith.mulf %parallel_loop3A_257, %div3A_110 : vector<16xf32>
        %parallel_loop3A_269 = arith.constant 1.250000e+01 : f32
        %parallel_loop3A_270 = vector.broadcast %parallel_loop3A_269 : f32 to vector<16xf32>
        %parallel_loop3A_271 = arith.addf %parallel_loop3A_268, %parallel_loop3A_270 : vector<16xf32>
        %parallel_loop3A_272 = arith.constant 0.000000e+00 : f32
        %parallel_loop3A_273 = vector.broadcast %parallel_loop3A_272 : f32 to vector<16xf32>
        %parallel_loop3A_274 = arith.maximumf %parallel_loop3A_271, %parallel_loop3A_273 : vector<16xf32>
        %parallel_loop3A_275 = arith.constant 2.450000e+01 : f32
        %parallel_loop3A_276 = vector.broadcast %parallel_loop3A_275 : f32 to vector<16xf32>
        %parallel_loop3A_277 = arith.minimumf %parallel_loop3A_274, %parallel_loop3A_276 : vector<16xf32>
        %parallel_loop3A_278 = arith.fptosi %parallel_loop3A_267 : vector<16xf32> to vector<16xi32>
        %parallel_loop3A_279 = arith.fptosi %parallel_loop3A_277 : vector<16xf32> to vector<16xi32>
        %parallel_loop3A_280 = arith.constant 25 : i32
        %parallel_loop3A_281 = vector.broadcast %parallel_loop3A_280 : i32 to vector<16xi32>
        %parallel_loop3A_282 = arith.muli %parallel_loop3A_279, %parallel_loop3A_281 : vector<16xi32>
        %parallel_loop3A_283 = arith.addi %parallel_loop3A_282, %parallel_loop3A_278 : vector<16xi32>
        %parallel_loop3A_284 = arith.sitofp %parallel_loop3A_283 : vector<16xi32> to vector<16xf32>
        %parallel_loop3A_285 = arith.index_cast %parallel_loop3A_251 : i32 to index
        %parallel_loop3A_286 = tpu.vector_load %arg9[%parallel_loop3A_285] {strides = array<i32>} : memref<10000xf32, #tpu.memory_space<vmem>>, vector<16xf32>,
        %parallel_loop3A_287 = vector.shape_cast %parallel_loop3A_286 : vector<16xf32> to vector<16xf32>
        %parallel_loop3A_288 = vector.shape_cast %parallel_loop3A_284 : vector<16xf32> to vector<16xf32>
        tpu.vector_store %arg9[%parallel_loop3A_285], %parallel_loop3A_288 {strides = array<i32>} : memref<10000xf32, #tpu.memory_space<vmem>>, vector<16xf32>,
      } {sc.loop_unroll_factor = 25 : i64, sc.parallel_access}
      %mul3A_233 = arith.constant 32 : i32
      %mul3A_234 = arith.muli %mul3A_233, %mul3A_208 : i32
      %add3A_235 = arith.addi %add3A, %mul3A_234 : i32
      %mul3A_236 = arith.constant 10000 : i32
      %mul3A_237 = arith.muli %add3A_235, %mul3A_236 : i32
      %dma_start3A_238 = tpu.memref_slice %arg5[%mul3A_237] : memref<5000000xf32, #tpu.memory_space<hbm>> -> memref<10000xf32, #tpu.memory_space<hbm>>
      %dma_start3A_239 = tpu.memref_slice %arg5[%mul3A_237] : memref<5000000xf32, #tpu.memory_space<hbm>> -> memref<10000xf32, #tpu.memory_space<hbm>>
      tpu.enqueue_dma source(%arg9 : memref<10000xf32, #tpu.memory_space<vmem>>) target(%dma_start3A_239 : memref<10000xf32, #tpu.memory_space<hbm>>) target_semaphore(%arg15 : memref<!tpu.dma_semaphore, #tpu.memory_space<semaphore_mem>>)
      %add3A_240 = arith.constant 2 : i32
      %add3A_241 = arith.addi %mul3A_208, %add3A_240 : i32
      %lt3A_242 = arith.cmpi slt, %add3A_241, %add3A_114 : i32
      %convert_element_type3A_243 = arith.extui %lt3A_242 : i1 to i32
      %cond3A_244 = arith.constant 0 : i32
      %cond3A_245 = arith.cmpi ne, %convert_element_type3A_243, %cond3A_244 : i32
      scf.if %cond3A_245 {
        %add3A_251 = arith.constant 2 : i32
        %add3A_252 = arith.addi %mul3A_208, %add3A_251 : i32
        %mul3A_253 = arith.constant 32 : i32
        %mul3A_254 = arith.muli %mul3A_253, %add3A_252 : i32
        %add3A_255 = arith.addi %add3A, %mul3A_254 : i32
        %mul3A_256 = arith.constant 10000 : i32
        %mul3A_257 = arith.muli %add3A_255, %mul3A_256 : i32
        %dma_start3A_258 = tpu.memref_slice %arg3[%mul3A_257] : memref<5000000xf32, #tpu.memory_space<hbm>> -> memref<10000xf32, #tpu.memory_space<hbm>>
        %dma_start3A_259 = tpu.memref_slice %arg3[%mul3A_257] : memref<5000000xf32, #tpu.memory_space<hbm>> -> memref<10000xf32, #tpu.memory_space<hbm>>
        tpu.enqueue_dma source(%dma_start3A_259 : memref<10000xf32, #tpu.memory_space<hbm>>) target(%arg7 : memref<10000xf32, #tpu.memory_space<vmem>>) target_semaphore(%arg13 : memref<!tpu.dma_semaphore, #tpu.memory_space<semaphore_mem>>)
        %mul3A_260 = arith.constant 32 : i32
        %mul3A_261 = arith.muli %mul3A_260, %add3A_252 : i32
        %add3A_262 = arith.addi %add3A, %mul3A_261 : i32
        %mul3A_263 = arith.constant 10000 : i32
        %mul3A_264 = arith.muli %add3A_262, %mul3A_263 : i32
        %dma_start3A_265 = tpu.memref_slice %arg4[%mul3A_264] : memref<5000000xf32, #tpu.memory_space<hbm>> -> memref<10000xf32, #tpu.memory_space<hbm>>
        %dma_start3A_266 = tpu.memref_slice %arg4[%mul3A_264] : memref<5000000xf32, #tpu.memory_space<hbm>> -> memref<10000xf32, #tpu.memory_space<hbm>>
        tpu.enqueue_dma source(%dma_start3A_266 : memref<10000xf32, #tpu.memory_space<hbm>>) target(%arg8 : memref<10000xf32, #tpu.memory_space<vmem>>) target_semaphore(%arg14 : memref<!tpu.dma_semaphore, #tpu.memory_space<semaphore_mem>>)
      } else {
      }
      %lt3A_246 = arith.cmpi slt, %add3A_210, %add3A_114 : i32
      %convert_element_type3A_247 = arith.extui %lt3A_246 : i1 to i32
      %cond3A_248 = arith.constant 0 : i32
      %cond3A_249 = arith.cmpi ne, %convert_element_type3A_247, %cond3A_248 : i32
      scf.if %cond3A_249 {
        %mul3A_251 = arith.constant 32 : i32
        %mul3A_252 = arith.muli %mul3A_251, %add3A_210 : i32
        %add3A_253 = arith.addi %add3A, %mul3A_252 : i32
        %mul3A_254 = arith.constant 10000 : i32
        %mul3A_255 = arith.muli %add3A_253, %mul3A_254 : i32
        %dma_wait3A_256 = tpu.memref_slice %arg3[%mul3A_255] : memref<5000000xf32, #tpu.memory_space<hbm>> -> memref<10000xf32, #tpu.memory_space<hbm>>
        %dma_wait3A_257 = tpu.memref_slice %arg3[%mul3A_255] : memref<5000000xf32, #tpu.memory_space<hbm>> -> memref<10000xf32, #tpu.memory_space<hbm>>
        tpu.wait_dma2 semaphore(%arg16 : memref<!tpu.dma_semaphore, #tpu.memory_space<semaphore_mem>>) src(%dma_wait3A_257 : memref<10000xf32, #tpu.memory_space<hbm>>) dst(%arg10 : memref<10000xf32, #tpu.memory_space<vmem>>)
        %mul3A_258 = arith.constant 32 : i32
        %mul3A_259 = arith.muli %mul3A_258, %add3A_210 : i32
        %add3A_260 = arith.addi %add3A, %mul3A_259 : i32
        %mul3A_261 = arith.constant 10000 : i32
        %mul3A_262 = arith.muli %add3A_260, %mul3A_261 : i32
        %dma_wait3A_263 = tpu.memref_slice %arg4[%mul3A_262] : memref<5000000xf32, #tpu.memory_space<hbm>> -> memref<10000xf32, #tpu.memory_space<hbm>>
        %dma_wait3A_264 = tpu.memref_slice %arg4[%mul3A_262] : memref<5000000xf32, #tpu.memory_space<hbm>> -> memref<10000xf32, #tpu.memory_space<hbm>>
        tpu.wait_dma2 semaphore(%arg17 : memref<!tpu.dma_semaphore, #tpu.memory_space<semaphore_mem>>) src(%dma_wait3A_264 : memref<10000xf32, #tpu.memory_space<hbm>>) dst(%arg11 : memref<10000xf32, #tpu.memory_space<vmem>>)
        %gt3A_265 = arith.constant 0 : i32
        %gt3A_266 = arith.cmpi sgt, %while3A_205, %gt3A_265 : i32
        %convert_element_type3A_267 = arith.extui %gt3A_266 : i1 to i32
        %cond3A_268 = arith.constant 0 : i32
        %cond3A_269 = arith.cmpi ne, %convert_element_type3A_267, %cond3A_268 : i32
        scf.if %cond3A_269 {
          %sub3A_280 = arith.constant 1 : i32
          %sub3A_281 = arith.subi %while3A_205, %sub3A_280 : i32
          %mul3A_282 = arith.constant 2 : i32
          %mul3A_283 = arith.muli %mul3A_282, %sub3A_281 : i32
          %add3A_284 = arith.constant 1 : i32
          %add3A_285 = arith.addi %mul3A_283, %add3A_284 : i32
          %mul3A_286 = arith.constant 32 : i32
          %mul3A_287 = arith.muli %mul3A_286, %add3A_285 : i32
          %add3A_288 = arith.addi %add3A, %mul3A_287 : i32
          %mul3A_289 = arith.constant 10000 : i32
          %mul3A_290 = arith.muli %add3A_288, %mul3A_289 : i32
          %dma_wait3A_291 = tpu.memref_slice %arg5[%mul3A_290] : memref<5000000xf32, #tpu.memory_space<hbm>> -> memref<10000xf32, #tpu.memory_space<hbm>>
          %dma_wait3A_292 = tpu.memref_slice %arg5[%mul3A_290] : memref<5000000xf32, #tpu.memory_space<hbm>> -> memref<10000xf32, #tpu.memory_space<hbm>>
          tpu.wait_dma2 semaphore(%arg18 : memref<!tpu.dma_semaphore, #tpu.memory_space<semaphore_mem>>) src(%arg12 : memref<10000xf32, #tpu.memory_space<vmem>>) dst(%dma_wait3A_292 : memref<10000xf32, #tpu.memory_space<hbm>>)
        } else {
        }
        %parallel_loop3A_270 = arith.constant 0 : i32
        %parallel_loop3A_271 = arith.constant 10000 : i32
        %parallel_loop3A_272 = arith.constant 16 : i32
        scf.for %parallel_loop3A_280 = %parallel_loop3A_270 to %parallel_loop3A_271 step %parallel_loop3A_272  : i32 {
          %parallel_loop3A_281 = arith.index_cast %parallel_loop3A_280 : i32 to index
          %parallel_loop3A_282 = tpu.vector_load %arg10[%parallel_loop3A_281] {strides = array<i32>} : memref<10000xf32, #tpu.memory_space<vmem>>, vector<16xf32>,
          %parallel_loop3A_283 = vector.shape_cast %parallel_loop3A_282 : vector<16xf32> to vector<16xf32>
          %parallel_loop3A_284 = arith.index_cast %parallel_loop3A_280 : i32 to index
          %parallel_loop3A_285 = tpu.vector_load %arg11[%parallel_loop3A_284] {strides = array<i32>} : memref<10000xf32, #tpu.memory_space<vmem>>, vector<16xf32>,
          %parallel_loop3A_286 = vector.shape_cast %parallel_loop3A_285 : vector<16xf32> to vector<16xf32>
          %parallel_loop3A_287 = arith.mulf %parallel_loop3A_283, %div3A_110 : vector<16xf32>
          %parallel_loop3A_288 = arith.constant 1.250000e+01 : f32
          %parallel_loop3A_289 = vector.broadcast %parallel_loop3A_288 : f32 to vector<16xf32>
          %parallel_loop3A_290 = arith.addf %parallel_loop3A_287, %parallel_loop3A_289 : vector<16xf32>
          %parallel_loop3A_291 = arith.constant 0.000000e+00 : f32
          %parallel_loop3A_292 = vector.broadcast %parallel_loop3A_291 : f32 to vector<16xf32>
          %parallel_loop3A_293 = arith.maximumf %parallel_loop3A_290, %parallel_loop3A_292 : vector<16xf32>
          %parallel_loop3A_294 = arith.constant 2.450000e+01 : f32
          %parallel_loop3A_295 = vector.broadcast %parallel_loop3A_294 : f32 to vector<16xf32>
          %parallel_loop3A_296 = arith.minimumf %parallel_loop3A_293, %parallel_loop3A_295 : vector<16xf32>
          %parallel_loop3A_297 = arith.mulf %parallel_loop3A_286, %div3A_110 : vector<16xf32>
          %parallel_loop3A_298 = arith.constant 1.250000e+01 : f32
          %parallel_loop3A_299 = vector.broadcast %parallel_loop3A_298 : f32 to vector<16xf32>
          %parallel_loop3A_300 = arith.addf %parallel_loop3A_297, %parallel_loop3A_299 : vector<16xf32>
          %parallel_loop3A_301 = arith.constant 0.000000e+00 : f32
          %parallel_loop3A_302 = vector.broadcast %parallel_loop3A_301 : f32 to vector<16xf32>
          %parallel_loop3A_303 = arith.maximumf %parallel_loop3A_300, %parallel_loop3A_302 : vector<16xf32>
          %parallel_loop3A_304 = arith.constant 2.450000e+01 : f32
          %parallel_loop3A_305 = vector.broadcast %parallel_loop3A_304 : f32 to vector<16xf32>
          %parallel_loop3A_306 = arith.minimumf %parallel_loop3A_303, %parallel_loop3A_305 : vector<16xf32>
          %parallel_loop3A_307 = arith.fptosi %parallel_loop3A_296 : vector<16xf32> to vector<16xi32>
          %parallel_loop3A_308 = arith.fptosi %parallel_loop3A_306 : vector<16xf32> to vector<16xi32>
          %parallel_loop3A_309 = arith.constant 25 : i32
          %parallel_loop3A_310 = vector.broadcast %parallel_loop3A_309 : i32 to vector<16xi32>
          %parallel_loop3A_311 = arith.muli %parallel_loop3A_308, %parallel_loop3A_310 : vector<16xi32>
          %parallel_loop3A_312 = arith.addi %parallel_loop3A_311, %parallel_loop3A_307 : vector<16xi32>
          %parallel_loop3A_313 = arith.sitofp %parallel_loop3A_312 : vector<16xi32> to vector<16xf32>
          %parallel_loop3A_314 = arith.index_cast %parallel_loop3A_280 : i32 to index
          %parallel_loop3A_315 = tpu.vector_load %arg12[%parallel_loop3A_314] {strides = array<i32>} : memref<10000xf32, #tpu.memory_space<vmem>>, vector<16xf32>,
          %parallel_loop3A_316 = vector.shape_cast %parallel_loop3A_315 : vector<16xf32> to vector<16xf32>
          %parallel_loop3A_317 = vector.shape_cast %parallel_loop3A_313 : vector<16xf32> to vector<16xf32>
          tpu.vector_store %arg12[%parallel_loop3A_314], %parallel_loop3A_317 {strides = array<i32>} : memref<10000xf32, #tpu.memory_space<vmem>>, vector<16xf32>,
        } {sc.loop_unroll_factor = 25 : i64, sc.parallel_access}
        %mul3A_273 = arith.constant 32 : i32
        %mul3A_274 = arith.muli %mul3A_273, %add3A_210 : i32
        %add3A_275 = arith.addi %add3A, %mul3A_274 : i32
        %mul3A_276 = arith.constant 10000 : i32
        %mul3A_277 = arith.muli %add3A_275, %mul3A_276 : i32
        %dma_start3A_278 = tpu.memref_slice %arg5[%mul3A_277] : memref<5000000xf32, #tpu.memory_space<hbm>> -> memref<10000xf32, #tpu.memory_space<hbm>>
        %dma_start3A_279 = tpu.memref_slice %arg5[%mul3A_277] : memref<5000000xf32, #tpu.memory_space<hbm>> -> memref<10000xf32, #tpu.memory_space<hbm>>
        tpu.enqueue_dma source(%arg12 : memref<10000xf32, #tpu.memory_space<vmem>>) target(%dma_start3A_279 : memref<10000xf32, #tpu.memory_space<hbm>>) target_semaphore(%arg18 : memref<!tpu.dma_semaphore, #tpu.memory_space<semaphore_mem>>)
      } else {
      }
      %while3A_250 = arith.constant 0 : i32
      scf.yield %while3A_250 : i32
    }
    %sub3A_160 = arith.constant 1 : i32
    %sub3A_161 = arith.subi %select_n3A_148, %sub3A_160 : i32
    %mul3A_162 = arith.constant 2 : i32
    %mul3A_163 = arith.muli %mul3A_162, %sub3A_161 : i32
    %mul3A_164 = arith.constant 32 : i32
    %mul3A_165 = arith.muli %mul3A_164, %mul3A_163 : i32
    %add3A_166 = arith.addi %add3A, %mul3A_165 : i32
    %mul3A_167 = arith.constant 10000 : i32
    %mul3A_168 = arith.muli %add3A_166, %mul3A_167 : i32
    %dma_wait3A = tpu.memref_slice %arg5[%mul3A_168] : memref<5000000xf32, #tpu.memory_space<hbm>> -> memref<10000xf32, #tpu.memory_space<hbm>>
    %dma_wait3A_169 = tpu.memref_slice %arg5[%mul3A_168] : memref<5000000xf32, #tpu.memory_space<hbm>> -> memref<10000xf32, #tpu.memory_space<hbm>>
    tpu.wait_dma2 semaphore(%arg15 : memref<!tpu.dma_semaphore, #tpu.memory_space<semaphore_mem>>) src(%arg9 : memref<10000xf32, #tpu.memory_space<vmem>>) dst(%dma_wait3A_169 : memref<10000xf32, #tpu.memory_space<hbm>>)
    %jit3A_170 = arith.constant 2 : i32
    %div3A_171 = arith.divsi %add3A_114, %jit3A_170 : i32
    %sign3A_172 = arith.constant 0 : i32
    %sign3A_173 = arith.cmpi sgt, %add3A_114, %sign3A_172 : i32
    %sign3A_174 = arith.extui %sign3A_173 : i1 to i32
    %sign3A_175 = arith.constant 0 : i32
    %sign3A_176 = arith.cmpi slt, %add3A_114, %sign3A_175 : i32
    %sign3A_177 = arith.extui %sign3A_176 : i1 to i32
    %sign3A_178 = arith.subi %sign3A_174, %sign3A_177 : i32
    %sign3A_179 = arith.constant 0 : i32
    %sign3A_180 = arith.cmpi sgt, %jit3A_170, %sign3A_179 : i32
    %sign3A_181 = arith.extui %sign3A_180 : i1 to i32
    %sign3A_182 = arith.constant 0 : i32
    %sign3A_183 = arith.cmpi slt, %jit3A_170, %sign3A_182 : i32
    %sign3A_184 = arith.extui %sign3A_183 : i1 to i32
    %sign3A_185 = arith.subi %sign3A_181, %sign3A_184 : i32
    %ne3A_186 = arith.cmpi ne, %sign3A_178, %sign3A_185 : i32
    %rem3A_187 = arith.remsi %add3A_114, %jit3A_170 : i32
    %ne3A_188 = arith.constant 0 : i32
    %ne3A_189 = arith.cmpi ne, %rem3A_187, %ne3A_188 : i32
    %and3A_190 = arith.andi %ne3A_186, %ne3A_189 : i1
    %sub3A_191 = arith.constant 1 : i32
    %sub3A_192 = arith.subi %div3A_171, %sub3A_191 : i32
    %select_n3A_193 = arith.select %and3A_190, %sub3A_192, %div3A_171 : i32
    %mul3A_194 = arith.constant 2 : i32
    %mul3A_195 = arith.muli %select_n3A_193, %mul3A_194 : i32
    %sub3A_196 = arith.constant 1 : i32
    %sub3A_197 = arith.subi %mul3A_195, %sub3A_196 : i32
    %mul3A_198 = arith.constant 32 : i32
    %mul3A_199 = arith.muli %mul3A_198, %sub3A_197 : i32
    %add3A_200 = arith.addi %add3A, %mul3A_199 : i32
    %mul3A_201 = arith.constant 10000 : i32
    %mul3A_202 = arith.muli %add3A_200, %mul3A_201 : i32
    %dma_wait3A_203 = tpu.memref_slice %arg5[%mul3A_202] : memref<5000000xf32, #tpu.memory_space<hbm>> -> memref<10000xf32, #tpu.memory_space<hbm>>
    %dma_wait3A_204 = tpu.memref_slice %arg5[%mul3A_202] : memref<5000000xf32, #tpu.memory_space<hbm>> -> memref<10000xf32, #tpu.memory_space<hbm>>
    tpu.wait_dma2 semaphore(%arg18 : memref<!tpu.dma_semaphore, #tpu.memory_space<semaphore_mem>>) src(%arg12 : memref<10000xf32, #tpu.memory_space<vmem>>) dst(%dma_wait3A_204 : memref<10000xf32, #tpu.memory_space<hbm>>)
    return
  }
}

</mosaic_0001>

<sc_bundles>
// kernel: kernel.3.cloned.1.call-start
scs
__scs_entry_jumppad:
0x0: {  	(pc) =	sbr.rel $0x88, $3  }
0x1: {  	(tag) =	ssettag $0x0;
	lr =	simm.s32 $0x1  }
0x2: {  	[smem:$0x3F9F] =	sst lr;
	_ =	strace $0xD0000000  }
0x3: {  	_ = 	snop  }
0x4: {  	_ = 	snop  }
0x5: {  	_ = 	snop  }
0x6: {  	_ = 	snop  }
0x7: {  	_ = 	snop  }
__scs_overlays_trampoline_lowered:
0x8: {  	[smem:$0x3FAE] =	sst s0  }
0x9: {  	[smem:$0x3FAF] =	sst s1  }
0xa: {  	[smem:$0x3FB0] =	sst s2  }
0xb: {  	[smem:$0x3FB1] =	sst s3  }
0xc: {  	[smem:$0x3FB2] =	sst s4  }
0xd: {  	[smem:$0x3FB3] =	sst s5  }
0xe: {  	[smem:$0x3FB4] =	sst s6  }
0xf: {  	[smem:$0x3FB5] =	sst s7  }
0x10: {  	[smem:$0x3FB6] =	sst s8  }
0x11: {  	[smem:$0x3FB7] =	sst s9;
	s0 =	simm.s32 @!p0 $0x0  }
0x12: {  	s1 =	sld [smem:$0x3F9D];
	s0 =	simm.s32 @p0 $0x1  }
0x13: {  	[smem:$0x3FB8] =	sst s0;
	s0 =	simm.s32 @!p1 $0x0  }
0x14: {  	s2 =	sld [smem:$0x3F9C];
	s0 =	simm.s32 @p1 $0x1  }
0x15: {  	[smem:$0x3FB9] =	sst s0;
	s0 =	simm.s32 @!p2 $0x0  }
0x16: {  	s3 =	sld [smem:$0x3FDB];
	s0 =	simm.s32 @p2 $0x1  }
0x17: {  	s4 =	simm.s32 $0x1BF5;
	[smem:$0x3FBB] =	sst s0  }
0x18: {  	s0 =	sld [smem:$0x3F9E];
	_ =	swait.ge [sflag:s4], $0x0  }
0x19: {  	s7 =	sld [smem:$0x3F9F]  }
0x1a: {  	s8 =	sadd.s32 $0xFFFFE003, lr  }
0x1b: {  	s9 =	sadd.s32 $0xFFFFFEF7, lr;
	s5 =	simm.s32 $0xFFFFFFFF;
	p2 =	slt.u32 s8, $0xFFFFF086  }
0x1c: {  	p1 =	slt.u32 s9, $0xF7A;
	s5 =	simm.s32 @!p2 $0x0  }
0x1d: {  	s5 =	simm.s32 @p1 $0x1;
	p0 =	seq.s32 s7, s2  }
0x1e: {  	s7 =	smul.u32 @!p0 $0xF7A, s2;
	p2 =	seq.s32 @!p0 s5, $0x0  }
0x1f: {  	s9 =	smul.u32 $0xF7A, s1;
	s8 =	simm.s32 @!p0 $0x1BF5;
	p2 =	por !p2, p0  }
0x20: {  	[sflag:s8] =	ssyncset.s32 @!p0 $0xFFFFF086;
	s6 =	sadd.s32 @!p0 s3, s7;
	s7 =	simm.s32 @!p0 $0x108  }
0x21: {  	s3 =	sadd.s32 s3, s9;
	s6 =	sadd.s32 @!p0 $0x88, s6;
	s7 =	simm.s32 @p2 $0x1082  }
0x22: {  	[simem:s7], [sflag:s8] =	dma.local @!p0 [hbm:s6], $0xF7A  }
0x23: {  	s9 =	sor.u32 $0xD0000000, s2;
	s6 =	simm.s32 $0x108;
	_ =	swait.ge @!p0 [sflag:s8], $0x0  }
0x24: {  	s3 =	sadd.s32 $0x88, s3;
	s6 =	simm.s32 @!p1 $0x1082;
	[sflag:s4] =	ssyncset.s32 $0xFFFFF086  }
0x25: {  	[simem:s6], [sflag:s4] =	dma.local [hbm:s3], $0xF7A  }
0x26: {  	[smem:$0x3F9F] =	sst s1;
	(tag) =	ssettag s2;
	_ =	strace s9  }
0x27: {  	s1 =	sld [smem:$0x3FAF]  }
0x28: {  	s2 =	sld [smem:$0x3FB0]  }
0x29: {  	s4 =	sld [smem:$0x3FB2]  }
0x2a: {  	p0 =	seq.s32 s5, $0x0;
	s5 =	sld [smem:$0x3FB3]  }
0x2b: {  	s6 =	sld [smem:$0x3FB4]  }
0x2c: {  	s7 =	sld [smem:$0x3FB5]  }
0x2d: {  	s3 =	simm.s32 $0x108;
	s8 =	sld [smem:$0x3FB6]  }
0x2e: {  	s3 =	simm.s32 @!p0 $0x1082;
	s9 =	sld [smem:$0x3FB7]  }
0x2f: {  	lr =	sadd.s32 s0, s3;
	s0 =	sld [smem:$0x3FAE]  }
0x30: {  	s3 =	sld [smem:$0x3FB1]  }
0x31: {  	[smem:$0x3FBA] =	sst s10  }
0x32: {  	s10 =	sld [smem:$0x3FB8];
	_ =	sdelay $0x3  }
0x33: {  	p0 =	seq.s32 s10, $0x1;
	s10 =	sld [smem:$0x3FBA];
	_ =	sdelay $0x3  }
0x34: {  	[smem:$0x3FBA] =	sst s10  }
0x35: {  	s10 =	sld [smem:$0x3FB9];
	_ =	sdelay $0x3  }
0x36: {  	p1 =	seq.s32 s10, $0x1;
	s10 =	sld [smem:$0x3FBA];
	_ =	sdelay $0x3  }
0x37: {  	[smem:$0x3FBA] =	sst s10  }
0x38: {  	s10 =	sld [smem:$0x3FBB]  }
0x39: {  	_ = 	snop;
	(pc) =	sbr.ind lr, $3  }
0x3a: {  	_ = 	snop  }
0x3b: {  	_ = 	snop  }
0x3c: {  	p2 =	seq.s32 s10, $0x1;
	s10 =	sld [smem:$0x3FBA]  }
0x3d: {  	_ =	shalt  }
0x3e: {  	_ =	shalt  }
0x3f: {  	_ =	shalt  }
0x40: {  	_ =	shalt  }
0x41: {  	_ =	shalt  }
0x42: {  	_ =	shalt  }
0x43: {  	_ =	shalt  }
0x44: {  	_ =	shalt  }
0x45: {  	_ =	shalt  }
0x46: {  	_ =	shalt  }
0x47: {  	_ =	shalt  }
0x48: {  	_ =	shalt  }
0x49: {  	_ =	shalt  }
0x4a: {  	_ =	shalt  }
0x4b: {  	_ =	shalt  }
0x4c: {  	_ =	shalt  }
0x4d: {  	_ =	shalt  }
0x4e: {  	_ =	shalt  }
0x4f: {  	_ =	shalt  }
0x50: {  	_ =	shalt  }
0x51: {  	_ =	shalt  }
0x52: {  	_ =	shalt  }
0x53: {  	_ =	shalt  }
0x54: {  	_ =	shalt  }
0x55: {  	_ =	shalt  }
0x56: {  	_ =	shalt  }
0x57: {  	_ =	shalt  }
0x58: {  	_ =	shalt  }
0x59: {  	_ =	shalt  }
0x5a: {  	_ =	shalt  }
0x5b: {  	_ =	shalt  }
0x5c: {  	_ =	shalt  }
0x5d: {  	_ =	shalt  }
0x5e: {  	_ =	shalt  }
0x5f: {  	_ =	shalt  }
0x60: {  	_ =	shalt  }
0x61: {  	_ =	shalt  }
0x62: {  	_ =	shalt  }
0x63: {  	_ =	shalt  }
0x64: {  	_ =	shalt  }
0x65: {  	_ =	shalt  }
0x66: {  	_ =	shalt  }
0x67: {  	_ =	shalt  }
0x68: {  	_ =	shalt  }
0x69: {  	_ =	shalt  }
0x6a: {  	_ =	shalt  }
0x6b: {  	_ =	shalt  }
0x6c: {  	_ =	shalt  }
0x6d: {  	_ =	shalt  }
0x6e: {  	_ =	shalt  }
0x6f: {  	_ =	shalt  }
0x70: {  	_ =	shalt  }
0x71: {  	_ =	shalt  }
0x72: {  	_ =	shalt  }
0x73: {  	_ =	shalt  }
0x74: {  	_ =	shalt  }
0x75: {  	_ =	shalt  }
0x76: {  	_ =	shalt  }
0x77: {  	_ =	shalt  }
0x78: {  	_ =	shalt  }
0x79: {  	_ =	shalt  }
0x7a: {  	_ =	shalt  }
0x7b: {  	_ =	shalt  }
0x7c: {  	_ =	shalt  }
0x7d: {  	_ =	shalt  }
0x7e: {  	_ =	shalt  }
0x7f: {  	_ =	shalt  }
0x80: {  	_ =	shalt  }
0x81: {  	_ =	shalt  }
0x82: {  	_ =	shalt  }
0x83: {  	_ =	shalt  }
0x84: {  	_ =	shalt  }
0x85: {  	_ =	shalt  }
0x86: {  	_ =	shalt  }
0x87: {  	_ =	shalt  }
.Lfunc_end0:
.L_simem_size_0:
called_computation_lowered:
.L_overlay_start_0:
0x88: {  	s2 =	sld [smem:$0x3FD9]  }
0x89: {  	s3 =	sld [smem:$0x3FFE];
	_ =	sdelay $0x1  }
0x8a: {  	s1 =	srdreg.scid  }
0x8b: {  	s0 =	sand.u32 $0x1, s1  }
0x8c: {  	s17 =	sshll.u32 s0, $0xA;
	s2 =	sadd.s32 s3, s2  }
0x8d: {  	s2 =	sadd.s32 s2, s17  }
0x8e: {  	[smem:$0x3FC6] =	sst s2  }
0x8f: {  	_ = 	snop  }
0x90: {  	s2 =	sld [smem:$0x3FD0];
	(tm) =	ssettm $0x1  }
0x91: {  	s18 =	sld [smem:$0x3FFB];
	_ =	sdelay $0x3  }
0x92: {  	_ =	strace s18  }
0x93: {  	s3 =	sld [smem:$0x3FFC];
	_ =	sdelay $0x3  }
0x94: {  	_ =	strace s3  }
0x95: {  	s3 =	sld [smem:$0x3FFD];
	_ =	sdelay $0x3  }
0x96: {  	_ =	strace s3  }
0x97: {  	_ =	strace $0x8FFFFFFF  }
0x98: {  	s19 =	sld [smem:$0x3FDB];
	_ =	sdelay $0x1  }
0x99: {  	s4 =	simm.s32 $_scs_section_size  }
0x9a: {  	s5 =	simm.s32 $_size__tile_overlayer_lowered;
	s6 =	simm.s32 $_tile_overlayer_lowered  }
0x9b: {  	s22 =	simm.s32 $0x1BFF;
	s21 =	sshll.u32 s6, $0x1;
	s3 =	sadd.s32 s4, s19  }
0x9c: {  	s7 =	simm.s32 $0x0;
	s20 =	sshll.u32 s5, $0x1;
	s5 =	sadd.s32 s21, s3  }
0x9d: {  	[timem:s7], [sflag:s22] =	dma.local [hbm:s5], s20  }
0x9e: {  	_ =	swait.ge [sflag:s22], s20  }
0x9f: {  	s4 =	ssub.s32 $0x0, s20;
	[sflag:s22] =	ssyncset.done $0x0  }
0xa0: {  	[sflag:s22] =	ssyncadd.s32 s4;
	_ =	sdelay $0x1  }
0xa1: {  	s23 =	simm.s32 $0x1B8B  }
0xa2: {  	_ =	swait.ge [sflag:s23], $0x1  }
0xa3: {  	[sflag:s23] =	ssyncset.done $0x0  }
0xa4: {  	s25 =	simm.s32 $0x1B8E;
	s24 =	sld [smem:$0x3FFE];
	[sflag:s23] =	ssyncadd.s32 $0xFFFFFFFF  }
0xa5: {  	s26 =	simm.s32 $execute0_lowered;
	[smem:$0x3FD2] =	sst s25  }
0xa6: {  	s5 =	sshll.u32 s26, $0x1;
	_ =	strace $0x80000046;
	[dreg:$0x1] =	wrdreg $0xFFFFFFFF  }
0xa7: {  	s28 =	simm.s32 $_size_execute0_lowered;
	s3 =	sadd.s32 s3, s5;
	[dreg:$0x0] =	wrdreg $0x0  }
0xa8: {  	s5 =	sshll.u32 s28, $0x1;
	[dreg:$0x2] =	wrdreg s3  }
0xa9: {  	[dreg:$0x3] =	wrdreg s5  }
0xaa: {  	[dreg:$0x4] =	wrdreg $0xC0  }
0xab: {  	_ =	task [dreg:s7], $0x5FFFF  }
0xac: {  	[dreg:$0x1] =	wrdreg $0xFFFFFFFF  }
0xad: {  	[dreg:$0x0] =	wrdreg $0x60  }
0xae: {  	[dreg:$0x2] =	wrdreg s24  }
0xaf: {  	[dreg:$0x3] =	wrdreg s2  }
0xb0: {  	[dreg:$0x4] =	wrdreg $0x9  }
0xb1: {  	_ =	task.clear_ibuf [dreg:s7], $0x5FFFF;
	_ =	strace $0x90000046  }
0xb2: {  	s29 =	simm.s32 $0x9;
	_ =	strace $0x80000048  }
0xb3: {  	_ =	swait.ge [sflag:s29], $0x1  }
0xb4: {  	[sflag:s29] =	ssyncadd.s32 $0xFFFFFFFF  }
0xb5: {  	_ =	strace $0x90000048  }
0xb6: {  	_ =	sfence  }
0xb7: {  	s30 =	sld [smem:$0x0];
	_ =	sdelay $0x2  }
0xb8: {  	s31 =	sshll.u32 s1, $0xD;
	s1 =	sshrl.u32 s1, $0x2  }
0xb9: {  	s3 =	sand.u32 $0x4000, s31;
	s1 =	sadd.s32 s1, s30  }
0xba: {  	s0 =	sor.u32 s3, s0;
	s1 =	sshll.u32 s1, $0x11  }
0xbb: {  	s0 =	sor.u32 s1, s0  }
0xbc: {  	s0 =	sadd.s32 $0x8F2B, s0  }
0xbd: {  	[sflag:s0] =	ssyncadd.remote.s32 $0x1  }
0xbe: {  	_ =	sfence.sel $0xFFFF  }
0xbf: {  	[dreg:$0x0] =	wrdreg $0xFFFFFFFF;
	(pc) =	sbr.abs _section_cstart, $3  }
0xc0: {  	[dreg:$0x1] =	wrdreg $0xFFFFFFFF  }
0xc1: {  	_ =	task.clear_ibuf [dreg:s7], $0x2FFFF;
	_ =	strace $0x9FFFFFFF  }
0xc2: {  	(tm) =	ssettm $0x7FFFFFFF  }
0xc3: {  	_ =	shalt  }
tec
execute0_lowered:
.L_overlay_start_1:
0x0: {  	(tag) =	ssettag $0x1  }
0x1: {  	s1 =	rddreg [dreg:$0x0]  }
0x2: {  	s2 =	rddreg [dreg:$0x1]  }
0x3: {  	v0 =	vimm.s32 $0xFEDCBA98;
	s3 =	simm.s32 $0x0;
	v1 =	vimm.s32 $0x76543210;
	s0 =	srdreg.scid;
	s8 =	stileid.u32;
	v2 =	vimm.s32 $0x3210FEDC  }
0x4: {  	v3 =	vimm.s32 $0xBA987654;
	v4 =	vimm.s32 $0x10FEDCBA;
	s12 =	simm.s32 $0x7;
	s13 =	simm.s32 $0x80;
	s14 =	simm.s32 $0x2800  }
0x5: {  	v5 =	vimm.s32 $0x98765432;
	v6 =	vimm.s32 $0xFEDCBA9;
	s15 =	simm.s32 $0x1;
	s16 =	simm.s32 $0x2;
	s17 =	simm.s32 $0x4F80  }
0x6: {  	v7 =	vimm.s32 $0x87654321;
	s18 =	simm.s32 $0x4;
	s19 =	simm.s32 $0x5;
	s20 =	simm.s32 $0xC600;
	v0 =	vunpack.c.l.s4.s8 v0;
	v1 =	vunpack.c.l.s4.s8 v1  }
0x7: {  	s21 =	simm.s32 $0x3;
	s22 =	simm.s32 $0x6;
	s23 =	simm.s32 $0x0;
	v2 =	vunpack.c.l.s4.s8 v2;
	v3 =	vunpack.c.l.s4.s8 v3;
	v4 =	vunpack.c.l.s4.s8 v4  }
0x8: {  	[smem:$0x7FF] =	sst s3;
	s5 =	sadd.s32 $0x131400, s1;
	s0 =	sand.u32 $0x1, s0;
	v5 =	vunpack.c.l.s4.s8 v5;
	v6 =	vunpack.c.l.s4.s8 v6;
	v7 =	vunpack.c.l.s4.s8 v7  }
.Ltmp0:
0x9: {  	s6 =	sadd.s32 $0x98A00, s1;
	s7 =	sshll.u32 s8, $0x1;
	v0 =	vunpack.c.0.s8.s32 v0;
	v1 =	vunpack.c.0.s8.s32 v1;
	v2 =	vunpack.c.0.s8.s32 v2;
	(pc) =	sbr.rel .LBB2_1-.Ltmp0, $4  }
0xa: {  	p0 =	slt.u32 s8, $0xA;
	s4 =	ssub.s32 $0x2, s0;
	s7 =	sor.u32 s0, s7;
	v3 =	vunpack.c.0.s8.s32 v3;
	v4 =	vunpack.c.0.s8.s32 v4;
	v5 =	vunpack.c.0.s8.s32 v5  }
0xb: {  	s8 =	simm.s32 $0x10;
	s9 =	sshrl.u32 s4, $0x1;
	s0 =	smul.u32 $0x4E2, s7;
	v6 =	vunpack.c.0.s8.s32 v6;
	v7 =	vunpack.c.0.s8.s32 v7;
	v0 =	vand.u32 $0xF, v0  }
0xc: {  	_ =	strace $0x80000047;
	s8 =	simm.s32 @!p0 $0xF;
	s4 =	ssub.s32 s4, s9;
	v0 =	vcombine.low v0, v1;
	v1 =	vcombine.low v3, v2  }
0xd: {  	s9 =	sadd.s32 s6, s0;
	s10 =	sadd.s32 s1, s0;
	s11 =	smax.u32 s4, $0x1;
	v2 =	vcombine.low v5, v4;
	v3 =	vlaneseq.u32;
	v4 =	vcombine.low v7, v6  }
.LBB2_11:
0xe: {  	s23 =	sadd.s32 $0x1, s23  }
0xf: {  	_ =	swait.ge [sflag:s21], $0x2710;
	p0 =	sne.s32 s23, s11  }
.Ltmp1:
0x10: {  	[sflag:s21] =	ssyncset.done $0x0;
	(pc) =	sbr.rel @!p0 .LBB2_12-.Ltmp1, $4  }
0x11: {  	[sflag:s21] =	ssyncadd.s32 $0xFFFFD8F0  }
0x12: {  	_ =	swait.ge [sflag:s22], $0x2710  }
0x13: {  	[sflag:s22] =	ssyncset.done $0x0  }
0x14: {  	[sflag:s22] =	ssyncadd.s32 $0xFFFFD8F0  }
.LBB2_1:
0x15: {  	[tilespmem:s3], [sflag:$0x7] =	stream.linear.gather [hbm4b:s5+s3], $0x80, $0x38;
	[tilespmem:$0xED80] =	vst v63  }
0x16: {  	_ =	swait.ge [sflag:s12], $0x80  }
0x17: {  	[sflag:s12] =	ssyncset.done $0x0  }
0x18: {  	[sflag:s12] =	ssyncadd.s32 $0xFFFFFF80  }
0x19: {  	v9 =	vld [tilespmem:$0x0];
	_ =	sdelay $0x3  }
0x1a: {  	v22 =	vor.u32 s3, v3  }
0x1b: {  	v6 =	vcvt.s32.f32 v22;
	v5 =	vmul.f32 $3.906250000e-03, v9;
	_ =	sdelay $0x1  }
0x1c: {  	v6 =	vmul.f32 v6, v5;
	_ =	sdelay $0x1  }
0x1d: {  	v7 =	vadd.f32 $1.000000000e+00, v6;
	_ =	sdelay $0x1  }
0x1e: {  	v8 =	vmul.f32 v7, v7  }
0x1f: {  	s0 =	simm.s32 $0x10  }
0x20: {  	v6 =	vor.u32 s0, v3;
	v7 =	vmul.f32 v8, v7  }
0x21: {  	v8 =	vcvt.s32.f32 v6  }
0x22: {  	v7 =	vmul.f32 $3.000000120e-01, v7  }
0x23: {  	v8 =	vmul.f32 v8, v5  }
0x24: {  	v13 =	vadd.f32 $6.999999880e-01, v7  }
0x25: {  	v8 =	vadd.f32 $1.000000000e+00, v8  }
0x26: {  	v7 =	vadd.f32 $1.000000000e+00, v13  }
0x27: {  	s24 =	simm.s32 $0x20;
	v10 =	vmul.f32 v8, v8  }
0x28: {  	v11 =	vmul.f32 $5.000000000e-01, v7;
	v7 =	vor.u32 s24, v3  }
0x29: {  	v8 =	vmul.f32 v10, v8;
	v10 =	vcvt.s32.f32 v7  }
0x2a: {  	(erf) = vrcp.f32 v11  }
0x2b: {  	v8 =	vmul.f32 $3.000000120e-01, v8;
	v10 =	vmul.f32 v10, v5;
	_ =	sdelay $0x1  }
0x2c: {  	v14 =	vadd.f32 $6.999999880e-01, v8;
	v10 =	vadd.f32 $1.000000000e+00, v10;
	_ =	sdelay $0x1  }
0x2d: {  	v8 =	vadd.f32 $1.000000000e+00, v14;
	v12 =	vmul.f32 v10, v10  }
0x2e: {  	s25 =	simm.s32 $0x30  }
0x2f: {  	v16 =	vmul.f32 $5.000000000e-01, v8;
	v8 =	vor.u32 s25, v3;
	v10 =	vmul.f32 v12, v10  }
0x30: {  	v12 =	vcvt.s32.f32 v8  }
0x31: {  	(erf) = vrcp.f32 v16;
	v15 =	vpop (erf);
	v10 =	vmul.f32 $3.000000120e-01, v10  }
0x32: {  	v12 =	vmul.f32 v12, v5;
	v15 =	vmul.f32 v15, v13  }
0x33: {  	v19 =	vadd.f32 $6.999999880e-01, v10  }
0x34: {  	v10 =	vadd.f32 v15, v11;
	v11 =	vadd.f32 $1.000000000e+00, v12;
	_ =	sdelay $0x1  }
0x35: {  	v15 =	vmul.f32 v11, v11  }
0x36: {  	v12 =	vadd.f32 $1.000000000e+00, v19;
	v17 =	vmul.f32 $5.000000000e-01, v10  }
0x37: {  	s26 =	simm.s32 $0x40;
	v11 =	vmul.f32 v15, v11  }
0x38: {  	v10 =	vor.u32 s26, v3;
	v12 =	vmul.f32 $5.000000000e-01, v12;
	(erf) = vrcp.f32 v17  }
0x39: {  	v15 =	vcvt.s32.f32 v10;
	v18 =	vpop (erf);
	v11 =	vmul.f32 $3.000000120e-01, v11  }
0x3a: {  	(erf) = vrcp.f32 v12;
	v18 =	vmul.f32 v18, v14  }
0x3b: {  	v20 =	vmul.f32 v15, v5;
	v15 =	vadd.f32 $6.999999880e-01, v11  }
0x3c: {  	v11 =	vadd.f32 v18, v16  }
0x3d: {  	v16 =	vadd.f32 $1.000000000e+00, v20;
	v18 =	vadd.f32 $1.000000000e+00, v15  }
0x3e: {  	v20 =	vmul.f32 $5.000000000e-01, v11  }
0x3f: {  	s28 =	simm.s32 $0x50;
	v21 =	vmul.f32 v16, v16  }
0x40: {  	v11 =	vor.u32 s28, v3;
	v23 =	vmul.f32 $5.000000000e-01, v18;
	(erf) = vrcp.f32 v20  }
0x41: {  	v16 =	vmul.f32 v21, v16;
	v21 =	vcvt.s32.f32 v11;
	v18 =	vpop (erf)  }
0x42: {  	(erf) = vrcp.f32 v23;
	v18 =	vmul.f32 v18, v13  }
0x43: {  	v16 =	vmul.f32 $3.000000120e-01, v16;
	v21 =	vmul.f32 v21, v5;
	v24 =	vpop (erf)  }
0x44: {  	v24 =	vmul.f32 v24, v19;
	v17 =	vadd.f32 v18, v17  }
0x45: {  	v18 =	vadd.f32 $6.999999880e-01, v16;
	v16 =	vadd.f32 $1.000000000e+00, v21  }
0x46: {  	v12 =	vadd.f32 v24, v12;
	v17 =	vmul.f32 $5.000000000e-01, v17  }
0x47: {  	v21 =	vadd.f32 $1.000000000e+00, v18;
	v25 =	vmul.f32 v16, v16  }
0x48: {  	v24 =	vmul.f32 $5.000000000e-01, v12;
	(erf) = vrcp.f32 v17  }
0x49: {  	s29 =	simm.s32 $0x60;
	v21 =	vmul.f32 $5.000000000e-01, v21;
	v26 =	vpop (erf);
	v16 =	vmul.f32 v25, v16  }
0x4a: {  	v12 =	vor.u32 s29, v3;
	(erf) = vrcp.f32 v24;
	v25 =	vmul.f32 v26, v14  }
0x4b: {  	v26 =	vcvt.s32.f32 v12;
	(erf) = vrcp.f32 v21;
	v27 =	vpop (erf)  }
0x4c: {  	v16 =	vmul.f32 $3.000000120e-01, v16;
	v27 =	vmul.f32 v27, v15  }
0x4d: {  	v20 =	vadd.f32 v25, v20;
	v25 =	vmul.f32 v26, v5  }
0x4e: {  	v16 =	vadd.f32 $6.999999880e-01, v16;
	v23 =	vadd.f32 v27, v23  }
0x4f: {  	v27 =	vmul.f32 $5.000000000e-01, v20;
	v20 =	vadd.f32 $1.000000000e+00, v25  }
0x50: {  	v25 =	vadd.f32 $1.000000000e+00, v16;
	v28 =	vmul.f32 $5.000000000e-01, v23  }
0x51: {  	(erf) = vrcp.f32 v27;
	v26 =	vmul.f32 v20, v20  }
0x52: {  	v25 =	vmul.f32 $5.000000000e-01, v25;
	v23 =	vpop (erf);
	(erf) = vrcp.f32 v28  }
0x53: {  	s30 =	simm.s32 $0x70;
	v20 =	vmul.f32 v26, v20;
	v23 =	vmul.f32 v23, v13  }
0x54: {  	v29 =	vpop (erf);
	v13 =	vor.u32 s30, v3;
	(erf) = vrcp.f32 v25  }
0x55: {  	v26 =	vmul.f32 v29, v19;
	v30 =	vpop (erf);
	v20 =	vmul.f32 $3.000000120e-01, v20;
	v17 =	vadd.f32 v23, v17  }
0x56: {  	v29 =	vcvt.s32.f32 v13;
	v23 =	vmul.f32 v30, v18  }
0x57: {  	v24 =	vadd.f32 v26, v24;
	v20 =	vadd.f32 $6.999999880e-01, v20;
	v17 =	vmul.f32 $5.000000000e-01, v17  }
0x58: {  	v29 =	vmul.f32 v29, v5;
	v21 =	vadd.f32 v23, v21  }
0x59: {  	v26 =	vmul.f32 $5.000000000e-01, v24;
	(erf) = vrcp.f32 v17;
	v17 =	vadd.f32 $1.000000000e+00, v20  }
0x5a: {  	v29 =	vadd.f32 $1.000000000e+00, v29  }
0x5b: {  	v23 =	vmul.f32 $5.000000000e-01, v21;
	(erf) = vrcp.f32 v26  }
0x5c: {  	v30 =	vmul.f32 v29, v29;
	v21 =	vpop (erf);
	v24 =	vmul.f32 $5.000000000e-01, v17  }
0x5d: {  	s31 =	simm.s32 $0x80;
	(erf) = vrcp.f32 v23;
	v21 =	vmul.f32 v21, v14;
	v17 =	vpop (erf)  }
0x5e: {  	v14 =	vor.u32 s31, v3;
	v29 =	vmul.f32 v30, v29;
	v17 =	vmul.f32 v17, v15  }
0x5f: {  	v30 =	vcvt.s32.f32 v14;
	(erf) = vrcp.f32 v24;
	v31 =	vpop (erf);
	v21 =	vadd.f32 v21, v27  }
0x60: {  	v27 =	vmul.f32 $3.000000120e-01, v29;
	v29 =	vmul.f32 v31, v16;
	v31 =	vadd.f32 v17, v28  }
0x61: {  	vm0 =	vlt.u32 v22, $0x101;
	v30 =	vmul.f32 v30, v5;
	v32 =	vmul.f32 $5.000000000e-01, v21  }
0x62: {  	v21 =	vadd.f32 $6.999999880e-01, v27;
	v28 =	vadd.f32 v29, v25;
	v25 =	vmul.f32 $5.000000000e-01, v31  }
0x63: {  	s0 =	simm.s32 $0x90;
	v17 =	vimm.f32 $0.0e+00;
	v27 =	vadd.f32 $1.000000000e+00, v30;
	(erf) = vrcp.f32 v32;
	v22 =	vpop (erf)  }
.LBB2_2:
0x64: {  	v29 =	vadd.f32 $1.000000000e+00, v21;
	v28 =	vmul.f32 $5.000000000e-01, v28;
	(erf) = vrcp.f32 v25;
	v30 =	vpop (erf)  }
0x65: {  	p0 =	sne.s32 s0, $0x100;
	v31 =	vmovc v6;
	v6 =	vmovc v7;
	v7 =	vmov v8;
	v8 =	vmov v10;
	v10 =	vmov v11;
	s4 =	smov.u32 s0;
	s0 =	sadd.s32 $0x10, s0  }
0x66: {  	v33 =	vnsel vm0, $0x0, v22;
	v11 =	vmovc v12;
	v12 =	vmovc v13;
	v32 =	vmul.f32 v27, v27;
	v30 =	vmul.f32 v30, v19  }
0x67: {  	v17 =	vadd.f32 v33, v17;
	v22 =	vmul.f32 $5.000000000e-01, v29;
	(erf) = vrcp.f32 v28;
	v13 =	vpop (erf)  }
0x68: {  	v19 =	vmovc v15;
	v27 =	vmul.f32 v32, v27;
	v29 =	vmul.f32 v13, v18;
	v13 =	vmovc v14;
	v14 =	vor.u32 s4, v3  }
.Ltmp2:
0x69: {  	v34 =	vadd.f32 v30, v26;
	v32 =	vcvt.s32.f32 v14;
	(erf) = vrcp.f32 v22;
	v15 =	vpop (erf);
	(pc) =	sbr.rel @p0 .LBB2_2-.Ltmp2, $4  }
0x6a: {  	v27 =	vmul.f32 $3.000000120e-01, v27;
	v30 =	vmul.f32 v15, v20;
	v29 =	vadd.f32 v29, v23;
	v23 =	vmovc v28;
	v15 =	vmovc v18  }
0x6b: {  	v33 =	vmul.f32 $5.000000000e-01, v34;
	v18 =	vmovc v16;
	v16 =	vmovc v20;
	v20 =	vmov v21;
	v32 =	vmul.f32 v32, v5  }
0x6c: {  	v26 =	vmovc v25;
	v21 =	vadd.f32 $6.999999880e-01, v27;
	v28 =	vadd.f32 v30, v24;
	v24 =	vmovc v22;
	v25 =	vmul.f32 $5.000000000e-01, v29  }
0x6d: {  	vm0 =	vlt.u32 v31, $0x101;
	v27 =	vadd.f32 $1.000000000e+00, v32;
	(erf) = vrcp.f32 v33;
	v22 =	vpop (erf)  }
0x6e: {  	_ = 	snop  }
0x6f: {  	v29 =	vmul.f32 v27, v27;
	_ =	sdelay $0x1  }
0x70: {  	v30 =	vpop (erf);
	v27 =	vmul.f32 v29, v27  }
0x71: {  	v28 =	vmul.f32 $5.000000000e-01, v28;
	v19 =	vmul.f32 v30, v19;
	v47 =	vpop (erf)  }
0x72: {  	v48 =	vadd.f32 $1.000000000e+00, v21;
	v29 =	vmul.f32 v47, v18;
	v31 =	vpop (erf);
	v27 =	vmul.f32 $3.000000120e-01, v27  }
0x73: {  	(erf) = vrcp.f32 v25;
	v19 =	vadd.f32 v19, v26;
	v49 =	vmul.f32 v31, v20  }
0x74: {  	v30 =	vmul.f32 $5.000000000e-01, v48;
	v23 =	vadd.f32 v29, v23;
	v27 =	vadd.f32 $6.999999880e-01, v27  }
0x75: {  	(erf) = vrcp.f32 v28;
	v19 =	vmul.f32 $5.000000000e-01, v19;
	v24 =	vadd.f32 v49, v24  }
0x76: {  	(erf) = vrcp.f32 v30;
	v23 =	vmul.f32 $5.000000000e-01, v23;
	v50 =	vadd.f32 $1.000000000e+00, v27  }
0x77: {  	(erf) = vrcp.f32 v19;
	v51 =	vmul.f32 $5.000000000e-01, v24  }
0x78: {  	(erf) = vrcp.f32 v23;
	v52 =	vmul.f32 $5.000000000e-01, v50  }
0x79: {  	(erf) = vrcp.f32 v51  }
0x7a: {  	(erf) = vrcp.f32 v52;
	_ =	sdelay $0x1  }
0x7b: {  	v26 =	vpop (erf)  }
0x7c: {  	v53 =	vpop (erf)  }
0x7d: {  	v54 =	vpop (erf)  }
0x7e: {  	v15 =	vmul.f32 v53, v15;
	v55 =	vpop (erf)  }
0x7f: {  	v31 =	vmul.f32 v54, v16;
	v32 =	vpop (erf)  }
0x80: {  	v15 =	vadd.f32 v15, v25;
	v56 =	vmul.f32 v55, v21;
	v57 =	vpop (erf)  }
0x81: {  	v28 =	vadd.f32 v31, v28;
	v58 =	vmul.f32 v57, v18;
	v59 =	vpop (erf)  }
0x82: {  	v15 =	vmul.f32 $5.000000000e-01, v15;
	v25 =	vadd.f32 v56, v30;
	v29 =	vmul.f32 v59, v20;
	v60 =	vpop (erf)  }
0x83: {  	v28 =	vmul.f32 $5.000000000e-01, v28;
	v18 =	vadd.f32 v58, v23;
	v61 =	vmul.f32 v60, v27  }
0x84: {  	(erf) = vrcp.f32 v15;
	v62 =	vmul.f32 $5.000000000e-01, v25;
	v19 =	vadd.f32 v29, v51  }
0x85: {  	(erf) = vrcp.f32 v28;
	v18 =	vmul.f32 $5.000000000e-01, v18;
	v23 =	vadd.f32 v61, v52  }
0x86: {  	(erf) = vrcp.f32 v62;
	v19 =	vmul.f32 $5.000000000e-01, v19  }
0x87: {  	(erf) = vrcp.f32 v18;
	v63 =	vmul.f32 $5.000000000e-01, v23  }
0x88: {  	(erf) = vrcp.f32 v19  }
0x89: {  	(erf) = vrcp.f32 v63;
	_ =	sdelay $0x3  }
0x8a: {  	v33 =	vpop (erf)  }
0x8b: {  	v34 =	vpop (erf)  }
0x8c: {  	v35 =	vpop (erf)  }
0x8d: {  	v36 =	vmul.f32 v34, v16;
	v37 =	vpop (erf)  }
0x8e: {  	v25 =	vmul.f32 v35, v21;
	v38 =	vpop (erf)  }
0x8f: {  	v16 =	vadd.f32 v36, v28;
	v39 =	vmul.f32 v38, v20;
	v40 =	vpop (erf)  }
0x90: {  	v15 =	vadd.f32 v25, v62;
	v41 =	vmul.f32 v40, v27  }
0x91: {  	v16 =	vmul.f32 $5.000000000e-01, v16;
	v19 =	vadd.f32 v39, v19  }
0x92: {  	v15 =	vmul.f32 $5.000000000e-01, v15;
	v18 =	vadd.f32 v41, v63  }
0x93: {  	(erf) = vrcp.f32 v16;
	v42 =	vmul.f32 $5.000000000e-01, v19  }
0x94: {  	(erf) = vrcp.f32 v15;
	v18 =	vmul.f32 $5.000000000e-01, v18  }
0x95: {  	(erf) = vrcp.f32 v42  }
0x96: {  	(erf) = vrcp.f32 v18;
	_ =	sdelay $0x2  }
0x97: {  	v9 =	vadd.f32 $1.000000000e+00, v9;
	_ =	sdelay $0x1  }
0x98: {  	v43 =	vmul.f32 v9, v9  }
0x99: {  	v44 =	vpop (erf)  }
0x9a: {  	v16 =	vmul.f32 v43, v9;
	v45 =	vpop (erf)  }
0x9b: {  	v46 =	vpop (erf)  }
0x9c: {  	v16 =	vmul.f32 $3.000000120e-01, v16;
	v20 =	vmul.f32 v45, v21;
	v47 =	vpop (erf)  }
0x9d: {  	v21 =	vmul.f32 v47, v27  }
0x9e: {  	v16 =	vadd.f32 $6.999999880e-01, v16;
	v15 =	vadd.f32 v20, v15  }
0x9f: {  	v18 =	vadd.f32 v21, v18  }
0xa0: {  	v48 =	vadd.f32 $1.000000000e+00, v16;
	v15 =	vmul.f32 $5.000000000e-01, v15  }
0xa1: {  	v18 =	vmul.f32 $5.000000000e-01, v18  }
0xa2: {  	v49 =	vmul.f32 $5.000000000e-01, v48;
	(erf) = vrcp.f32 v15  }
0xa3: {  	(erf) = vrcp.f32 v18  }
0xa4: {  	(erf) = vrcp.f32 v49;
	_ =	sdelay $0x6  }
0xa5: {  	v50 =	vpop (erf)  }
0xa6: {  	v51 =	vpop (erf)  }
0xa7: {  	v52 =	vpop (erf)  }
0xa8: {  	v21 =	vmul.f32 v52, v16;
	_ =	sdelay $0x1  }
0xa9: {  	v15 =	vadd.f32 v21, v49;
	_ =	sdelay $0x1  }
0xaa: {  	v15 =	vmul.f32 $5.000000000e-01, v15;
	_ =	sdelay $0x1  }
0xab: {  	(erf) = vrcp.f32 v15;
	_ =	sdelay $0x5  }
0xac: {  	v53 =	vnsel vm0, $0x0, v22  }
0xad: {  	vm8 =	vlt.u32 v6, $0x101;
	v17 =	vadd.f32 v53, v17  }
0xae: {  	v6 =	vnsel vm8, $0x0, v26  }
0xaf: {  	vm9 =	vlt.u32 v7, $0x101;
	v6 =	vadd.f32 v6, v17;
	v54 =	vpop (erf)  }
0xb0: {  	v55 =	vnsel vm9, $0x0, v32;
	v7 =	vmul.f32 v54, v16  }
0xb1: {  	vm10 =	vlt.u32 v8, $0x101;
	v6 =	vadd.f32 v55, v6  }
0xb2: {  	v8 =	vnsel vm10, $0x0, v33;
	v7 =	vadd.f32 v7, v15  }
0xb3: {  	vm11 =	vlt.u32 v10, $0x101;
	v6 =	vadd.f32 v8, v6  }
0xb4: {  	v56 =	vnsel vm11, $0x0, v37;
	v7 =	vmul.f32 $5.000000000e-01, v7  }
0xb5: {  	vm12 =	vlt.u32 v11, $0x101;
	v6 =	vadd.f32 v56, v6  }
0xb6: {  	v57 =	vnsel vm12, $0x0, v44;
	(erf) = vrcp.f32 v7  }
0xb7: {  	vm13 =	vlt.u32 v12, $0x101;
	v6 =	vadd.f32 v57, v6  }
0xb8: {  	v58 =	vnsel vm13, $0x0, v46  }
0xb9: {  	vm14 =	vlt.u32 v13, $0x101;
	v6 =	vadd.f32 v58, v6  }
0xba: {  	v59 =	vnsel vm14, $0x0, v50  }
0xbb: {  	vm15 =	vlt.u32 v14, $0x101;
	v6 =	vadd.f32 v59, v6  }
0xbc: {  	v60 =	vnsel vm15, $0x0, v51  }
0xbd: {  	v6 =	vadd.f32 v60, v6;
	_ =	sdelay $0x1  }
0xbe: {  	v62 =	vperm.xlane v6, v0;
	v61 =	vpop (erf)  }
0xbf: {  	v8 =	vmul.f32 v61, v16  }
0xc0: {  	v6 =	vadd.f32 v62, v6  }
0xc1: {  	v7 =	vadd.f32 v8, v7  }
0xc2: {  	v63 =	vperm.xlane v6, v1  }
0xc3: {  	v7 =	vmul.f32 $5.000000000e-01, v7  }
0xc4: {  	v6 =	vadd.f32 v63, v6  }
0xc5: {  	(erf) = vrcp.f32 v7  }
0xc6: {  	v7 =	vperm.xlane v6, v2;
	_ =	sdelay $0x1  }
0xc7: {  	v6 =	vadd.f32 v7, v6;
	_ =	sdelay $0x1  }
0xc8: {  	v7 =	vperm.xlane v6, v4;
	_ =	sdelay $0x2  }
0xc9: {  	(erf) = vrcp.f32 v9;
	v6 =	vadd.f32 v7, v6  }
0xca: {  	v7 =	vpop (erf)  }
0xcb: {  	v6 =	vadd.f32 $-5.000000000e-01, v6;
	v7 =	vmul.f32 $5.000000000e-01, v7;
	_ =	sdelay $0x1  }
0xcc: {  	v6 =	vsub.f32 v6, v7;
	_ =	sdelay $0x1  }
0xcd: {  	v5 =	vmul.f32 v6, v5;
	_ =	sdelay $0x1  }
0xce: {  	v5 =	vmul.f32 $4.282749510e+03, v5  }
0xcf: {  	v6 =	vpop (erf)  }
0xd0: {  	v5 =	vmul.f32 v5, v6;
	_ =	sdelay $0x1  }
0xd1: {  	v5 =	vmul.f32 $5.000000000e+00, v5;
	_ =	sdelay $0x1  }
0xd2: {  	v5 =	vmul.f32 $1.000000000e+03, v5;
	_ =	sdelay $0x1  }
0xd3: {  	v5 =	vmul.f32 $4.848137000e-06, v5;
	_ =	sdelay $0x1  }
0xd4: {  	(erf) = vrcp.f32 v5;
	_ =	sdelay $0x5  }
.Ltmp3:
0xd5: {  	_ = 	snop;
	(pc) =	sbr.rel .LBB2_4-.Ltmp3, $4  }
0xd6: {  	s24 =	simm.s32 $0x0  }
0xd7: {  	[tilespmem:s13], [sflag:$0x1] =	stream.linear.gather [hbm4b:s9+s24], $0x2710, $0x38;
	[tilespmem:$0xED80] =	vst v63  }
0xd8: {  	v5 =	vpop (erf)  }
0xd9: {  	[tilespmem:s14], [sflag:$0x2] =	stream.linear.gather [hbm4b:s10+s24], $0x2710, $0x38;
	v5 =	vmul.f32 $2.500000000e+01, v5;
	[tilespmem:$0xED80] =	vst v63  }
.LBB2_10:
0xda: {  	s24 =	sadd.s32 $0x1, s24  }
0xdb: {  	p0 =	sne.s32 s24, $0x8  }
.Ltmp4:
0xdc: {  	_ = 	snop;
	(pc) =	sbr.rel @!p0 .LBB2_11-.Ltmp4, $1  }
0xdd: {  	_ =	sdelay $0x3  }
.LBB2_4:
0xde: {  	s25 =	sshllo.u32 s24, $0x1  }
0xdf: {  	p0 =	sge.u32 s25, s8  }
0xe0: {  	s0 =	sshll.u32 @!p0 s25, $0x5  }
0xe1: {  	s0 =	sor.u32 @!p0 s7, s0  }
0xe2: {  	s0 =	smul.u32 @!p0 $0x4E2, s0;
	_ =	sdelay $0x1  }
0xe3: {  	s26 =	simm.s32 @!p0 $0x0;
	s28 =	simm.s32 @!p0 $0x7700;
	s4 =	sadd.s32 @!p0 s6, s0  }
0xe4: {  	[tilespmem:s28], [sflag:$0x4] =	stream.linear.gather @!p0 [hbm4b:s4+s26], $0x2710, $0x38;
	[tilespmem:$0xED80] =	vst v63  }
0xe5: {  	s0 =	sadd.s32 @!p0 s1, s0;
	s4 =	simm.s32 @!p0 $0x9E80  }
0xe6: {  	[tilespmem:s4], [sflag:$0x5] =	stream.linear.gather @!p0 [hbm4b:s0+s26], $0x2710, $0x38;
	[tilespmem:$0xED80] =	vst v63  }
0xe7: {  	_ =	swait.ge [sflag:s15], $0x2710  }
0xe8: {  	[sflag:s15] =	ssyncset.done $0x0  }
0xe9: {  	[sflag:s15] =	ssyncadd.s32 $0xFFFFD8F0  }
0xea: {  	_ =	swait.ge [sflag:s16], $0x2710  }
0xeb: {  	p1 =	seq.s32 s24, $0x0;
	[sflag:s16] =	ssyncset.done $0x0  }
0xec: {  	s0 =	simm.s32 @!p1 $0x3;
	[sflag:s16] =	ssyncadd.s32 $0xFFFFD8F0  }
0xed: {  	_ =	swait.ge @!p1 [sflag:s0], $0x2710  }
0xee: {  	[sflag:s0] =	ssyncset.done @!p1 $0x0  }
0xef: {  	s4 =	simm.s32 $0x28C0;
	[sflag:s0] =	ssyncadd.s32 @!p1 $0xFFFFD8F0  }
0xf0: {  	v6 =	vld [tilespmem:s4+$0xB0]  }
0xf1: {  	s26 =	simm.s32 $0x140;
	v7 =	vld [tilespmem:s4+$0xFFFFFF40]  }
0xf2: {  	v8 =	vld [tilespmem:s26+$0xB0]  }
0xf3: {  	v9 =	vld [tilespmem:s4+$0xFFFFFF50]  }
0xf4: {  	v11 =	vld [tilespmem:s4+$0xFFFFFF60]  }
0xf5: {  	v12 =	vld [tilespmem:s4+$0xFFFFFF70]  }
0xf6: {  	s28 =	simm.s32 $0x0;
	v13 =	vld [tilespmem:s4+$0xFFFFFF80]  }
0xf7: {  	s0 =	sand.u32 $0x3FF0, s28;
	v15 =	vld [tilespmem:s4+$0xFFFFFFA0]  }
0xf8: {  	v16 =	vld [tilespmem:s0+$0x2880]  }
0xf9: {  	v18 =	vld [tilespmem:s0+$0x2900]  }
0xfa: {  	v20 =	vld [tilespmem:s0+$0x180]  }
0xfb: {  	v21 =	vld [tilespmem:s4+$0xFFFFFFB0]  }
0xfc: {  	v22 =	vld [tilespmem:s4+$0xFFFFFFE0]  }
0xfd: {  	v23 =	vld [tilespmem:s4+$0xFFFFFFF0]  }
0xfe: {  	v24 =	vld [tilespmem:s4+$0x0]  }
0xff: {  	v25 =	vld [tilespmem:s4+$0x10]  }
0x100: {  	v26 =	vld [tilespmem:s4+$0x20];
	v6 =	vmul.f32 v6, v5;
	v7 =	vmul.f32 v7, v5  }
0x101: {  	v27 =	vld [tilespmem:s4+$0x30];
	v8 =	vmul.f32 v8, v5;
	v9 =	vmul.f32 v9, v5  }
0x102: {  	v28 =	vld [tilespmem:s4+$0x50];
	v11 =	vmul.f32 v11, v5;
	v12 =	vmul.f32 v12, v5  }
0x103: {  	v29 =	vld [tilespmem:s4+$0x60];
	v13 =	vmul.f32 v13, v5;
	v15 =	vmul.f32 v15, v5  }
0x104: {  	v30 =	vld [tilespmem:s4+$0x70];
	v16 =	vmul.f32 v16, v5;
	v18 =	vmul.f32 v18, v5  }
0x105: {  	v31 =	vld [tilespmem:s4+$0x90];
	v20 =	vmul.f32 v20, v5;
	v21 =	vmul.f32 v21, v5  }
0x106: {  	v32 =	vld [tilespmem:s4+$0xA0];
	v22 =	vmul.f32 v22, v5;
	v23 =	vmul.f32 v23, v5  }
0x107: {  	v33 =	vld [tilespmem:s26+$0xFFFFFF40];
	v24 =	vmul.f32 v24, v5;
	v25 =	vmul.f32 v25, v5  }
0x108: {  	v34 =	vld [tilespmem:s26+$0xFFFFFF60];
	v26 =	vmul.f32 v26, v5;
	v27 =	vmul.f32 v27, v5  }
0x109: {  	v35 =	vld [tilespmem:s26+$0xFFFFFF70];
	v28 =	vmul.f32 v28, v5;
	v29 =	vmul.f32 v29, v5  }
0x10a: {  	v36 =	vld [tilespmem:s26+$0xFFFFFF90];
	v30 =	vmul.f32 v30, v5;
	v31 =	vmul.f32 v31, v5  }
0x10b: {  	v37 =	vld [tilespmem:s26+$0xFFFFFFA0];
	v32 =	vmul.f32 v32, v5;
	v6 =	vadd.f32 $1.250000000e+01, v6;
	v10 =	vadd.f32 $1.250000000e+01, v7  }
0x10c: {  	v38 =	vld [tilespmem:s26+$0xFFFFFFB0];
	v33 =	vmul.f32 v33, v5;
	v7 =	vadd.f32 $1.250000000e+01, v8;
	v19 =	vadd.f32 $1.250000000e+01, v9  }
0x10d: {  	v39 =	vld [tilespmem:s26+$0xFFFFFFD0];
	v34 =	vmul.f32 v34, v5;
	v11 =	vadd.f32 $1.250000000e+01, v11;
	v16 =	vadd.f32 $1.250000000e+01, v16  }
0x10e: {  	v40 =	vld [tilespmem:s26+$0xFFFFFFE0];
	v35 =	vmul.f32 v35, v5;
	v18 =	vadd.f32 $1.250000000e+01, v18;
	v20 =	vadd.f32 $1.250000000e+01, v20  }
0x10f: {  	v41 =	vld [tilespmem:s26+$0xFFFFFFF0];
	v36 =	vmul.f32 v36, v5;
	v12 =	vadd.f32 $1.250000000e+01, v12;
	v13 =	vadd.f32 $1.250000000e+01, v13  }
0x110: {  	v42 =	vld [tilespmem:s26+$0x0];
	v37 =	vmul.f32 v37, v5;
	v15 =	vadd.f32 $1.250000000e+01, v15;
	v21 =	vadd.f32 $1.250000000e+01, v21  }
0x111: {  	v43 =	vld [tilespmem:s26+$0x10];
	v38 =	vmul.f32 v38, v5;
	v22 =	vadd.f32 $1.250000000e+01, v22;
	v23 =	vadd.f32 $1.250000000e+01, v23  }
0x112: {  	v44 =	vld [tilespmem:s26+$0x20];
	v39 =	vmul.f32 v39, v5;
	v24 =	vadd.f32 $1.250000000e+01, v24;
	v25 =	vadd.f32 $1.250000000e+01, v25  }
0x113: {  	v46 =	vld [tilespmem:s26+$0x50];
	v40 =	vmul.f32 v40, v5;
	v26 =	vadd.f32 $1.250000000e+01, v26;
	v27 =	vadd.f32 $1.250000000e+01, v27  }
0x114: {  	v47 =	vld [tilespmem:s26+$0x60];
	v41 =	vmul.f32 v41, v5;
	v28 =	vadd.f32 $1.250000000e+01, v28;
	v29 =	vadd.f32 $1.250000000e+01, v29  }
0x115: {  	v48 =	vld [tilespmem:s26+$0x70];
	v42 =	vmul.f32 v42, v5;
	v30 =	vadd.f32 $1.250000000e+01, v30;
	v31 =	vadd.f32 $1.250000000e+01, v31  }
0x116: {  	v14 =	vld [tilespmem:s4+$0xFFFFFF90];
	v43 =	vmul.f32 v43, v5;
	v32 =	vadd.f32 $1.250000000e+01, v32;
	v59 =	vadd.f32 $1.250000000e+01, v34  }
0x117: {  	v61 =	vld [tilespmem:s26+$0x30];
	v44 =	vmul.f32 v44, v5;
	v60 =	vadd.f32 $1.250000000e+01, v35;
	v36 =	vadd.f32 $1.250000000e+01, v36  }
0x118: {  	v46 =	vmul.f32 v46, v5;
	v37 =	vadd.f32 $1.250000000e+01, v37;
	v38 =	vadd.f32 $1.250000000e+01, v38  }
0x119: {  	v63 =	vmul.f32 v47, v5;
	v39 =	vadd.f32 $1.250000000e+01, v39;
	v40 =	vadd.f32 $1.250000000e+01, v40  }
0x11a: {  	v49 =	vmul.f32 v48, v5;
	v41 =	vadd.f32 $1.250000000e+01, v41;
	v42 =	vadd.f32 $1.250000000e+01, v42  }
0x11b: {  	v9 =	vmul.f32 v14, v5;
	v43 =	vadd.f32 $1.250000000e+01, v43;
	v44 =	vadd.f32 $1.250000000e+01, v44  }
0x11c: {  	v35 =	vmul.f32 v61, v5;
	v46 =	vadd.f32 $1.250000000e+01, v46;
	v47 =	vadd.f32 $1.250000000e+01, v49  }
0x11d: {  	v6 =	vmax.f32 v6, $0.0e+00;
	v7 =	vmax.f32 v7, $0.0e+00;
	v16 =	vmax.f32 v16, $0.0e+00  }
0x11e: {  	v18 =	vmax.f32 v18, $0.0e+00;
	v20 =	vmax.f32 v20, $0.0e+00;
	v10 =	vmax.f32 v10, $0.0e+00  }
0x11f: {  	v19 =	vmax.f32 v19, $0.0e+00;
	v11 =	vmax.f32 v11, $0.0e+00;
	v12 =	vmax.f32 v12, $0.0e+00  }
0x120: {  	v45 =	vmax.f32 v13, $0.0e+00;
	v15 =	vmax.f32 v15, $0.0e+00;
	v21 =	vmax.f32 v21, $0.0e+00  }
0x121: {  	v13 =	vadd.f32 $1.250000000e+01, v33;
	v33 =	vmax.f32 v59, $0.0e+00;
	v34 =	vmax.f32 v60, $0.0e+00  }
0x122: {  	v22 =	vmax.f32 v22, $0.0e+00;
	v23 =	vmax.f32 v23, $0.0e+00;
	v24 =	vmax.f32 v24, $0.0e+00  }
0x123: {  	v25 =	vmax.f32 v25, $0.0e+00;
	v26 =	vmax.f32 v26, $0.0e+00;
	v27 =	vmax.f32 v27, $0.0e+00  }
0x124: {  	v28 =	vmax.f32 v28, $0.0e+00;
	v29 =	vmax.f32 v29, $0.0e+00;
	v30 =	vmax.f32 v30, $0.0e+00  }
0x125: {  	v31 =	vmax.f32 v31, $0.0e+00;
	v32 =	vmax.f32 v32, $0.0e+00;
	v36 =	vmax.f32 v36, $0.0e+00  }
0x126: {  	v37 =	vmax.f32 v37, $0.0e+00;
	v38 =	vmax.f32 v38, $0.0e+00;
	v39 =	vmax.f32 v39, $0.0e+00  }
0x127: {  	v40 =	vmax.f32 v40, $0.0e+00;
	v41 =	vmax.f32 v41, $0.0e+00;
	v42 =	vmax.f32 v42, $0.0e+00  }
0x128: {  	v43 =	vmax.f32 v43, $0.0e+00;
	v44 =	vmax.f32 v44, $0.0e+00;
	v46 =	vmax.f32 v46, $0.0e+00  }
0x129: {  	v47 =	vmax.f32 v47, $0.0e+00;
	v6 =	vmin.f32 v6, $2.450000000e+01;
	v7 =	vmin.f32 v7, $2.450000000e+01  }
0x12a: {  	v16 =	vmin.f32 v16, $2.450000000e+01;
	v18 =	vmin.f32 v18, $2.450000000e+01;
	v20 =	vmin.f32 v20, $2.450000000e+01  }
0x12b: {  	v10 =	vmin.f32 v10, $2.450000000e+01;
	v19 =	vmin.f32 v19, $2.450000000e+01;
	v11 =	vmin.f32 v11, $2.450000000e+01  }
0x12c: {  	v12 =	vmin.f32 v12, $2.450000000e+01;
	v33 =	vmin.f32 v33, $2.450000000e+01;
	v34 =	vmin.f32 v34, $2.450000000e+01  }
0x12d: {  	v45 =	vmin.f32 v45, $2.450000000e+01;
	v15 =	vmin.f32 v15, $2.450000000e+01;
	v21 =	vmin.f32 v21, $2.450000000e+01  }
0x12e: {  	v22 =	vmin.f32 v22, $2.450000000e+01;
	v23 =	vmin.f32 v23, $2.450000000e+01;
	v24 =	vmin.f32 v24, $2.450000000e+01  }
0x12f: {  	v25 =	vmin.f32 v25, $2.450000000e+01;
	v26 =	vmin.f32 v26, $2.450000000e+01;
	v6 =	vtrunc.f32 v6  }
0x130: {  	v27 =	vmin.f32 v27, $2.450000000e+01;
	v7 =	vtrunc.f32 v7;
	v16 =	vtrunc.f32 v16  }
0x131: {  	v28 =	vmin.f32 v28, $2.450000000e+01;
	v18 =	vtrunc.f32 v18;
	v20 =	vtrunc.f32 v20  }
0x132: {  	v29 =	vmin.f32 v29, $2.450000000e+01;
	v10 =	vtrunc.f32 v10;
	v19 =	vtrunc.f32 v19  }
0x133: {  	v30 =	vmin.f32 v30, $2.450000000e+01;
	v11 =	vtrunc.f32 v11;
	v12 =	vtrunc.f32 v12  }
0x134: {  	v31 =	vmin.f32 v31, $2.450000000e+01;
	v33 =	vtrunc.f32 v33;
	v34 =	vtrunc.f32 v34  }
0x135: {  	v32 =	vmin.f32 v32, $2.450000000e+01;
	v45 =	vtrunc.f32 v45;
	v15 =	vtrunc.f32 v15  }
0x136: {  	v36 =	vmin.f32 v36, $2.450000000e+01;
	v21 =	vtrunc.f32 v21;
	v22 =	vtrunc.f32 v22  }
0x137: {  	v37 =	vmin.f32 v37, $2.450000000e+01;
	v23 =	vtrunc.f32 v23;
	v24 =	vtrunc.f32 v24  }
0x138: {  	v38 =	vmin.f32 v38, $2.450000000e+01;
	v25 =	vtrunc.f32 v25;
	v26 =	vtrunc.f32 v26  }
0x139: {  	v39 =	vmin.f32 v39, $2.450000000e+01;
	v27 =	vtrunc.f32 v27;
	v28 =	vtrunc.f32 v28  }
0x13a: {  	v40 =	vmin.f32 v40, $2.450000000e+01;
	v29 =	vtrunc.f32 v29;
	v30 =	vtrunc.f32 v30  }
0x13b: {  	v41 =	vmin.f32 v41, $2.450000000e+01;
	v31 =	vtrunc.f32 v31;
	v32 =	vtrunc.f32 v32  }
0x13c: {  	v42 =	vmin.f32 v42, $2.450000000e+01;
	v36 =	vtrunc.f32 v36;
	v37 =	vtrunc.f32 v37  }
0x13d: {  	v8 =	vld [tilespmem:s0+$0x2980];
	v43 =	vmin.f32 v43, $2.450000000e+01;
	v38 =	vtrunc.f32 v38;
	v39 =	vtrunc.f32 v39  }
0x13e: {  	v14 =	vld [tilespmem:s0+$0x100];
	v44 =	vmin.f32 v44, $2.450000000e+01;
	v40 =	vtrunc.f32 v40;
	v41 =	vtrunc.f32 v41  }
0x13f: {  	v46 =	vmin.f32 v46, $2.450000000e+01;
	v42 =	vtrunc.f32 v42;
	v43 =	vtrunc.f32 v43  }
0x140: {  	v47 =	vmin.f32 v47, $2.450000000e+01;
	v44 =	vtrunc.f32 v44;
	v46 =	vtrunc.f32 v46  }
0x141: {  	v47 =	vtrunc.f32 v47;
	v6 =	vcvt.f32.s32 v6  }
0x142: {  	v7 =	vcvt.f32.s32 v7;
	v8 =	vmul.f32 v8, v5  }
0x143: {  	v14 =	vmul.f32 v14, v5;
	v18 =	vcvt.f32.s32 v18  }
0x144: {  	v20 =	vcvt.f32.s32 v20;
	v10 =	vcvt.f32.s32 v10  }
0x145: {  	v19 =	vcvt.f32.s32 v19;
	v11 =	vcvt.f32.s32 v11  }
0x146: {  	v12 =	vcvt.f32.s32 v12;
	v33 =	vcvt.f32.s32 v33  }
0x147: {  	v34 =	vcvt.f32.s32 v34;
	v45 =	vcvt.f32.s32 v45  }
0x148: {  	v15 =	vcvt.f32.s32 v15;
	v21 =	vcvt.f32.s32 v21  }
0x149: {  	v22 =	vcvt.f32.s32 v22;
	v23 =	vcvt.f32.s32 v23  }
0x14a: {  	v24 =	vcvt.f32.s32 v24;
	v25 =	vcvt.f32.s32 v25  }
0x14b: {  	v26 =	vcvt.f32.s32 v26;
	v27 =	vcvt.f32.s32 v27  }
0x14c: {  	v28 =	vcvt.f32.s32 v28;
	v29 =	vcvt.f32.s32 v29  }
0x14d: {  	v35 =	vadd.f32 $1.250000000e+01, v35;
	v30 =	vcvt.f32.s32 v30;
	v31 =	vcvt.f32.s32 v31  }
0x14e: {  	v13 =	vmax.f32 v13, $0.0e+00;
	v32 =	vcvt.f32.s32 v32;
	v51 =	vcvt.f32.s32 v38  }
0x14f: {  	v17 =	vld [tilespmem:s0+$0x200];
	v35 =	vmax.f32 v35, $0.0e+00;
	v52 =	vcvt.f32.s32 v39;
	v53 =	vcvt.f32.s32 v40  }
0x150: {  	v13 =	vmin.f32 v13, $2.450000000e+01;
	v54 =	vcvt.f32.s32 v41;
	v55 =	vcvt.f32.s32 v42  }
0x151: {  	v35 =	vmin.f32 v35, $2.450000000e+01;
	v57 =	vcvt.f32.s32 v44;
	v59 =	vcvt.f32.s32 v46  }
0x152: {  	v61 =	vcvt.f32.s32 v47;
	v13 =	vtrunc.f32 v13;
	v6 =	vmul.u32 $0x19, v6  }
0x153: {  	v35 =	vtrunc.f32 v35;
	v8 =	vadd.f32 $1.250000000e+01, v8;
	v14 =	vadd.f32 $1.250000000e+01, v14  }
0x154: {  	v18 =	vmul.u32 $0x19, v18;
	v6 =	vadd.s32 v7, v6;
	v7 =	vmul.f32 v17, v5  }
0x155: {  	v10 =	vmul.u32 $0x19, v10;
	v13 =	vcvt.f32.s32 v13;
	v19 =	vmul.u32 $0x19, v19  }
0x156: {  	v45 =	vmul.u32 $0x19, v45;
	v8 =	vmax.f32 v8, $0.0e+00;
	v7 =	vadd.f32 $1.250000000e+01, v7  }
0x157: {  	v15 =	vmul.u32 $0x19, v15;
	v21 =	vmul.u32 $0x19, v21;
	v8 =	vmin.f32 v8, $2.450000000e+01  }
0x158: {  	v22 =	vmul.u32 $0x19, v22;
	v8 =	vtrunc.f32 v8;
	v7 =	vmax.f32 v7, $0.0e+00  }
0x159: {  	v23 =	vmul.u32 $0x19, v23;
	v8 =	vcvt.f32.s32 v8;
	v7 =	vmin.f32 v7, $2.450000000e+01  }
0x15a: {  	v48 =	vmul.u32 $0x19, v24;
	v25 =	vmul.u32 $0x19, v25;
	v7 =	vtrunc.f32 v7  }
0x15b: {  	v26 =	vmul.u32 $0x19, v26;
	v8 =	vmul.u32 $0x19, v8;
	v7 =	vcvt.f32.s32 v7  }
0x15c: {  	v27 =	vmul.u32 $0x19, v27;
	v17 =	vld [tilespmem:s4+$0xFFFFFFD0];
	v14 =	vmax.f32 v14, $0.0e+00;
	v18 =	vadd.s32 v20, v18  }
0x15d: {  	v7 =	vadd.s32 v7, v8;
	v8 =	vmin.f32 v14, $2.450000000e+01;
	v14 =	vcvt.f32.s32 v16  }
0x15e: {  	v20 =	vadd.f32 $1.250000000e+01, v9;
	v9 =	vcvt.s32.f32 v18;
	v18 =	vld [tilespmem:s26+$0xFFFFFF80];
	v8 =	vtrunc.f32 v8  }
0x15f: {  	v28 =	vmul.u32 $0x19, v28;
	v8 =	vcvt.f32.s32 v8;
	v14 =	vmul.u32 $0x19, v14  }
0x160: {  	v29 =	vmul.u32 $0x19, v29;
	v30 =	vmul.u32 $0x19, v30;
	v24 =	vcvt.f32.s32 v36  }
0x161: {  	v20 =	vmax.f32 v20, $0.0e+00;
	v8 =	vadd.s32 v8, v14;
	v14 =	vmul.f32 v17, v5;
	v17 =	vld [tilespmem:s26+$0xFFFFFF50]  }
0x162: {  	v31 =	vmul.u32 $0x19, v31;
	v35 =	vcvt.f32.s32 v35;
	v20 =	vmin.f32 v20, $2.450000000e+01;
	v16 =	vld [tilespmem:s4+$0x80]  }
0x163: {  	v32 =	vmul.u32 $0x19, v32;
	v20 =	vtrunc.f32 v20;
	v18 =	vmul.f32 v18, v5  }
0x164: {  	v10 =	vadd.s32 v13, v10;
	v13 =	vmul.u32 $0x19, v11;
	v20 =	vcvt.f32.s32 v20  }
0x165: {  	v21 =	vadd.s32 v51, v21;
	v22 =	vadd.s32 v53, v22;
	v18 =	vadd.f32 $1.250000000e+01, v18  }
0x166: {  	v6 =	vcvt.s32.f32 v6;
	v20 =	vmul.u32 $0x19, v20;
	v17 =	vmul.f32 v17, v5  }
0x167: {  	v7 =	vcvt.s32.f32 v7;
	v18 =	vmax.f32 v18, $0.0e+00;
	v16 =	vmul.f32 v16, v5  }
0x168: {  	v18 =	vmin.f32 v18, $2.450000000e+01;
	v14 =	vadd.f32 $1.250000000e+01, v14;
	v17 =	vadd.f32 $1.250000000e+01, v17  }
0x169: {  	v18 =	vtrunc.f32 v18;
	[tilespmem:s0+$0x5100] =	vst v7;
	v7 =	vcvt.s32.f32 v10;
	v16 =	vadd.f32 $1.250000000e+01, v16  }
0x16a: {  	v18 =	vcvt.f32.s32 v18;
	v14 =	vmax.f32 v14, $0.0e+00;
	v17 =	vmax.f32 v17, $0.0e+00  }
0x16b: {  	v16 =	vmax.f32 v16, $0.0e+00;
	v14 =	vmin.f32 v14, $2.450000000e+01;
	v17 =	vmin.f32 v17, $2.450000000e+01  }
0x16c: {  	v16 =	vmin.f32 v16, $2.450000000e+01;
	v14 =	vtrunc.f32 v14;
	v17 =	vtrunc.f32 v17  }
0x16d: {  	v23 =	vadd.s32 v54, v23;
	v16 =	vtrunc.f32 v16;
	v17 =	vcvt.f32.s32 v17  }
0x16e: {  	v62 =	vld [tilespmem:s26+$0x90];
	v58 =	vadd.s32 v24, v20;
	v14 =	vcvt.f32.s32 v14;
	v16 =	vcvt.f32.s32 v16  }
0x16f: {  	v8 =	vcvt.s32.f32 v8;
	v11 =	vadd.s32 v17, v19;
	v19 =	vmul.u32 $0x19, v12  }
0x170: {  	v56 =	vadd.s32 v18, v45;
	v14 =	vmul.u32 $0x19, v14;
	v50 =	vmul.u32 $0x19, v16;
	v17 =	vld [tilespmem:s26+$0x80]  }
0x171: {  	v16 =	vcvt.f32.s32 v37;
	v12 =	vadd.s32 v33, v13;
	v13 =	vadd.s32 v34, v19;
	v19 =	vld [tilespmem:s26+$0xA0]  }
0x172: {  	v20 =	vadd.s32 v55, v48;
	v18 =	vcvt.f32.s32 v43;
	v10 =	vcvt.s32.f32 v56  }
0x173: {  	v24 =	vadd.s32 v52, v14;
	v60 =	vadd.s32 v16, v15;
	v33 =	vmul.f32 v62, v5  }
0x174: {  	[tilespmem:s0+$0x5080] =	vst v9;
	v9 =	vcvt.s32.f32 v11;
	v12 =	vcvt.s32.f32 v12;
	v34 =	vadd.f32 $1.250000000e+01, v63  }
0x175: {  	v11 =	vcvt.s32.f32 v58;
	v33 =	vadd.f32 $1.250000000e+01, v33;
	v13 =	vcvt.s32.f32 v13  }
0x176: {  	s29 =	simm.s32 $0x5040;
	v34 =	vmax.f32 v34, $0.0e+00;
	v17 =	vmul.f32 v17, v5;
	v19 =	vmul.f32 v19, v5  }
0x177: {  	[tilespmem:s29+$0xFFFFFF50] =	vst v9;
	v9 =	vcvt.s32.f32 v60;
	v33 =	vmax.f32 v33, $0.0e+00;
	v34 =	vmin.f32 v34, $2.450000000e+01  }
0x178: {  	v33 =	vmin.f32 v33, $2.450000000e+01;
	v17 =	vadd.f32 $1.250000000e+01, v17;
	v19 =	vadd.f32 $1.250000000e+01, v19  }
0x179: {  	v14 =	vadd.s32 v61, v30;
	v34 =	vtrunc.f32 v34;
	v33 =	vtrunc.f32 v33  }
0x17a: {  	v16 =	vcvt.f32.s32 v34;
	v17 =	vmax.f32 v17, $0.0e+00;
	v19 =	vmax.f32 v19, $0.0e+00  }
0x17b: {  	v33 =	vcvt.f32.s32 v33;
	v17 =	vmin.f32 v17, $2.450000000e+01;
	v19 =	vmin.f32 v19, $2.450000000e+01  }
0x17c: {  	v15 =	vadd.s32 v59, v28;
	v17 =	vtrunc.f32 v17;
	v19 =	vtrunc.f32 v19  }
0x17d: {  	[tilespmem:s29+$0xB0] =	vst v6;
	v16 =	vadd.s32 v16, v29;
	v62 =	vcvt.f32.s32 v17;
	v63 =	vcvt.f32.s32 v19  }
0x17e: {  	s4 =	sshll.u32 s24, $0x6;
	[tilespmem:s29+$0xFFFFFF40] =	vst v7;
	v6 =	vadd.s32 v33, v31;
	v17 =	vadd.s32 v35, v27;
	v19 =	vadd.s32 v18, v25  }
0x17f: {  	s31 =	sshll.u32 s24, $0x1;
	s30 =	sor.u32 s7, s4;
	[tilespmem:s0+$0x5000] =	vst v8;
	s0 =	simm.s32 $0x2A50;
	v18 =	vadd.s32 v57, v26;
	v8 =	vadd.s32 v62, v50;
	v7 =	vadd.s32 v63, v32  }
.LBB2_5:
0x180: {  	v25 =	vld [tilespmem:s0+$0xB0];
	[tilespmem:s29+$0xFFFFFF60] =	vst v12;
	v12 =	vcvt.s32.f32 v21;
	v21 =	vcvt.s32.f32 v24  }
0x181: {  	s26 =	sadd.s32 $0x190, s26;
	v24 =	vld [tilespmem:s0+$0xFFFFFF40];
	[tilespmem:s29+$0xFFFFFF70] =	vst v13;
	v13 =	vcvt.s32.f32 v22;
	v22 =	vcvt.s32.f32 v23  }
0x182: {  	v19 =	vcvt.s32.f32 v19;
	v23 =	vld [tilespmem:s26+$0xB0];
	[tilespmem:s29+$0xFFFFFF80] =	vst v10;
	v10 =	vcvt.s32.f32 v20  }
0x183: {  	v17 =	vcvt.s32.f32 v17;
	v20 =	vld [tilespmem:s0+$0xFFFFFF50];
	[tilespmem:s29+$0xFFFFFF90] =	vst v11;
	v11 =	vcvt.s32.f32 v18  }
0x184: {  	v18 =	vld [tilespmem:s0+$0xFFFFFF60];
	[tilespmem:s29+$0xFFFFFFA0] =	vst v9;
	v9 =	vcvt.s32.f32 v15;
	v15 =	vcvt.s32.f32 v16  }
0x185: {  	v16 =	vld [tilespmem:s0+$0xFFFFFF70];
	v25 =	vmul.f32 v25, v5;
	[tilespmem:s29+$0xFFFFFFB0] =	vst v12;
	v12 =	vcvt.s32.f32 v14  }
0x186: {  	v14 =	vmul.f32 v24, v5;
	v24 =	vld [tilespmem:s0+$0xFFFFFF80];
	[tilespmem:s29+$0xFFFFFFD0] =	vst v21;
	v21 =	vcvt.s32.f32 v8  }
0x187: {  	s28 =	sadd.s32 $0x190, s28;
	v8 =	vld [tilespmem:s0+$0xFFFFFF90];
	v23 =	vmul.f32 v23, v5;
	v25 =	vadd.f32 $1.250000000e+01, v25;
	[tilespmem:s29+$0xFFFFFFE0] =	vst v13;
	v13 =	vcvt.s32.f32 v6  }
0x188: {  	s4 =	sand.u32 $0x3FF0, s28;
	p2 =	slt.u32 s28, $0x2580;
	v6 =	vadd.f32 $1.250000000e+01, v14;
	v14 =	vmul.f32 v20, v5;
	v20 =	vld [tilespmem:s0+$0xFFFFFFA0];
	[tilespmem:s29+$0xFFFFFFF0] =	vst v22;
	v22 =	vcvt.s32.f32 v7  }
0x189: {  	v18 =	vmul.f32 v18, v5;
	v23 =	vadd.f32 $1.250000000e+01, v23;
	v25 =	vmax.f32 v25, $0.0e+00;
	v26 =	vld [tilespmem:s4+$0x2980];
	[tilespmem:s29+$0x0] =	vst v10  }
0x18a: {  	v7 =	vadd.f32 $1.250000000e+01, v14;
	v10 =	vmul.f32 v16, v5;
	v14 =	vld [tilespmem:s4+$0x2880];
	v16 =	vmin.f32 v25, $2.450000000e+01;
	[tilespmem:s29+$0x10] =	vst v19  }
0x18b: {  	v19 =	vmul.f32 v24, v5;
	v23 =	vmax.f32 v23, $0.0e+00;
	v16 =	vtrunc.f32 v16;
	v24 =	vld [tilespmem:s4+$0x200];
	[tilespmem:s29+$0x20] =	vst v11  }
0x18c: {  	v11 =	vmul.f32 v8, v5;
	v25 =	vld [tilespmem:s4+$0x2900];
	v23 =	vmin.f32 v23, $2.450000000e+01;
	v16 =	vcvt.f32.s32 v16;
	[tilespmem:s29+$0x30] =	vst v17  }
0x18d: {  	v8 =	vadd.f32 $1.250000000e+01, v18;
	v17 =	vmul.f32 v20, v5;
	v18 =	vld [tilespmem:s4+$0x100];
	v20 =	vtrunc.f32 v23;
	[tilespmem:s29+$0x50] =	vst v9  }
0x18e: {  	v23 =	vld [tilespmem:s4+$0x180];
	v20 =	vcvt.f32.s32 v20;
	v16 =	vmul.u32 $0x19, v16;
	v26 =	vmul.f32 v26, v5;
	[tilespmem:s29+$0x60] =	vst v15  }
0x18f: {  	v9 =	vadd.f32 $1.250000000e+01, v10;
	v10 =	vadd.f32 $1.250000000e+01, v19;
	v15 =	vld [tilespmem:s0+$0xFFFFFFB0];
	v14 =	vmul.f32 v14, v5;
	[tilespmem:s29+$0x70] =	vst v12  }
0x190: {  	v12 =	vld [tilespmem:s0+$0xFFFFFFD0];
	v16 =	vadd.s32 v20, v16;
	v19 =	vmul.f32 v24, v5;
	v20 =	vadd.f32 $1.250000000e+01, v26;
	[tilespmem:s29+$0x80] =	vst v21  }
0x191: {  	v14 =	vadd.f32 $1.250000000e+01, v14;
	v21 =	vld [tilespmem:s0+$0xFFFFFFE0];
	v24 =	vmul.f32 v25, v5;
	v16 =	vcvt.s32.f32 v16;
	[tilespmem:s29+$0x90] =	vst v13  }
0x192: {  	v13 =	vmul.f32 v18, v5;
	v18 =	vld [tilespmem:s0+$0xFFFFFFF0];
	v19 =	vadd.f32 $1.250000000e+01, v19;
	v20 =	vmax.f32 v20, $0.0e+00;
	[tilespmem:s29+$0xA0] =	vst v22  }
0x193: {  	v22 =	vld [tilespmem:s0+$0x0];
	v23 =	vmul.f32 v23, v5;
	v24 =	vadd.f32 $1.250000000e+01, v24;
	v20 =	vmin.f32 v20, $2.450000000e+01  }
0x194: {  	v14 =	vmax.f32 v14, $0.0e+00;
	v25 =	vld [tilespmem:s0+$0x10];
	v19 =	vmax.f32 v19, $0.0e+00;
	v20 =	vtrunc.f32 v20  }
0x195: {  	v26 =	vld [tilespmem:s0+$0x20];
	v24 =	vmax.f32 v24, $0.0e+00;
	v19 =	vmin.f32 v19, $2.450000000e+01;
	v20 =	vcvt.f32.s32 v20  }
0x196: {  	v13 =	vadd.f32 $1.250000000e+01, v13;
	v23 =	vadd.f32 $1.250000000e+01, v23;
	v27 =	vld [tilespmem:s0+$0x30];
	v19 =	vtrunc.f32 v19  }
0x197: {  	v14 =	vmin.f32 v14, $2.450000000e+01;
	v28 =	vld [tilespmem:s0+$0x50];
	v19 =	vcvt.f32.s32 v19;
	v20 =	vmul.u32 $0x19, v20  }
0x198: {  	v14 =	vtrunc.f32 v14;
	v13 =	vmax.f32 v13, $0.0e+00;
	v24 =	vmin.f32 v24, $2.450000000e+01;
	v29 =	vld [tilespmem:s0+$0x60]  }
0x199: {  	v23 =	vmax.f32 v23, $0.0e+00;
	v24 =	vtrunc.f32 v24;
	v30 =	vld [tilespmem:s0+$0x70];
	v19 =	vadd.s32 v19, v20  }
0x19a: {  	s29 =	sadd.s32 $0x190, s29;
	v14 =	vcvt.f32.s32 v14;
	v13 =	vmin.f32 v13, $2.450000000e+01;
	v20 =	vld [tilespmem:s0+$0x80];
	v19 =	vcvt.s32.f32 v19  }
0x19b: {  	v13 =	vtrunc.f32 v13;
	v23 =	vmin.f32 v23, $2.450000000e+01;
	v24 =	vcvt.f32.s32 v24;
	v31 =	vld [tilespmem:s0+$0x90];
	[tilespmem:s29+$0xB0] =	vst v16  }
0x19c: {  	v14 =	vmul.u32 $0x19, v14;
	v13 =	vcvt.f32.s32 v13;
	v16 =	vtrunc.f32 v23;
	v23 =	vld [tilespmem:s0+$0xA0];
	[tilespmem:s4+$0x5100] =	vst v19  }
0x19d: {  	v15 =	vmul.f32 v15, v5;
	v24 =	vmul.u32 $0x19, v24;
	v16 =	vcvt.f32.s32 v16;
	v19 =	vld [tilespmem:s26+$0xFFFFFF40]  }
0x19e: {  	v12 =	vmul.f32 v12, v5;
	v13 =	vadd.s32 v13, v14;
	v14 =	vmul.f32 v21, v5;
	v32 =	vld [tilespmem:s26+$0xFFFFFF50]  }
0x19f: {  	v18 =	vmul.f32 v18, v5;
	v13 =	vcvt.s32.f32 v13;
	v16 =	vadd.s32 v16, v24;
	v21 =	vld [tilespmem:s26+$0xFFFFFF60]  }
0x1a0: {  	v11 =	vadd.f32 $1.250000000e+01, v11;
	v22 =	vmul.f32 v22, v5;
	v16 =	vcvt.s32.f32 v16;
	v24 =	vld [tilespmem:s26+$0xFFFFFF70]  }
0x1a1: {  	v17 =	vadd.f32 $1.250000000e+01, v17;
	v33 =	vld [tilespmem:s26+$0xFFFFFF80];
	[tilespmem:s4+$0x5000] =	vst v13;
	v13 =	vmul.f32 v25, v5;
	v25 =	vmul.f32 v26, v5  }
0x1a2: {  	v15 =	vadd.f32 $1.250000000e+01, v15;
	v27 =	vmul.f32 v27, v5;
	v26 =	vld [tilespmem:s26+$0xFFFFFF90];
	[tilespmem:s4+$0x5080] =	vst v16;
	v16 =	vmul.f32 v28, v5  }
0x1a3: {  	v12 =	vadd.f32 $1.250000000e+01, v12;
	v29 =	vmul.f32 v29, v5;
	v30 =	vmul.f32 v30, v5;
	v28 =	vld [tilespmem:s26+$0xFFFFFFA0]  }
0x1a4: {  	v14 =	vadd.f32 $1.250000000e+01, v14;
	v20 =	vmul.f32 v20, v5;
	v31 =	vmul.f32 v31, v5;
	v34 =	vld [tilespmem:s26+$0xFFFFFFB0]  }
0x1a5: {  	v18 =	vadd.f32 $1.250000000e+01, v18;
	v22 =	vadd.f32 $1.250000000e+01, v22;
	v23 =	vmul.f32 v23, v5;
	v35 =	vld [tilespmem:s26+$0xFFFFFFD0]  }
0x1a6: {  	v19 =	vmul.f32 v19, v5;
	v13 =	vadd.f32 $1.250000000e+01, v13;
	v25 =	vadd.f32 $1.250000000e+01, v25;
	v36 =	vld [tilespmem:s26+$0xFFFFFFE0]  }
0x1a7: {  	v27 =	vadd.f32 $1.250000000e+01, v27;
	v32 =	vmul.f32 v32, v5;
	v16 =	vadd.f32 $1.250000000e+01, v16;
	v37 =	vld [tilespmem:s26+$0xFFFFFFF0]  }
0x1a8: {  	v29 =	vadd.f32 $1.250000000e+01, v29;
	v30 =	vadd.f32 $1.250000000e+01, v30;
	v21 =	vmul.f32 v21, v5;
	v38 =	vld [tilespmem:s26+$0x0]  }
0x1a9: {  	v20 =	vadd.f32 $1.250000000e+01, v20;
	v31 =	vadd.f32 $1.250000000e+01, v31;
	v24 =	vmul.f32 v24, v5;
	v39 =	vld [tilespmem:s26+$0x10]  }
0x1aa: {  	v23 =	vadd.f32 $1.250000000e+01, v23;
	v33 =	vmul.f32 v33, v5;
	v26 =	vmul.f32 v26, v5;
	v40 =	vld [tilespmem:s26+$0x20]  }
0x1ab: {  	v6 =	vmax.f32 v6, $0.0e+00;
	v28 =	vmul.f32 v28, v5;
	v34 =	vmul.f32 v34, v5;
	v41 =	vld [tilespmem:s26+$0x30]  }
0x1ac: {  	v7 =	vmax.f32 v7, $0.0e+00;
	v35 =	vmul.f32 v35, v5;
	v36 =	vmul.f32 v36, v5;
	v42 =	vld [tilespmem:s26+$0x50]  }
0x1ad: {  	v8 =	vmax.f32 v8, $0.0e+00;
	v37 =	vmul.f32 v37, v5;
	v38 =	vmul.f32 v38, v5;
	v43 =	vld [tilespmem:s26+$0x60]  }
0x1ae: {  	v9 =	vmax.f32 v9, $0.0e+00;
	v10 =	vmax.f32 v10, $0.0e+00;
	v39 =	vmul.f32 v39, v5;
	v44 =	vld [tilespmem:s26+$0x70]  }
0x1af: {  	v11 =	vmax.f32 v11, $0.0e+00;
	v17 =	vmax.f32 v17, $0.0e+00;
	v40 =	vmul.f32 v40, v5;
	v45 =	vld [tilespmem:s26+$0x80]  }
0x1b0: {  	v15 =	vmax.f32 v15, $0.0e+00;
	v12 =	vmax.f32 v12, $0.0e+00;
	v41 =	vmul.f32 v41, v5;
	v46 =	vld [tilespmem:s26+$0x90]  }
0x1b1: {  	v18 =	vmax.f32 v18, $0.0e+00;
	v14 =	vmax.f32 v14, $0.0e+00;
	v42 =	vmul.f32 v42, v5;
	v47 =	vld [tilespmem:s26+$0xA0]  }
0x1b2: {  	v22 =	vmax.f32 v22, $0.0e+00;
	v13 =	vmax.f32 v13, $0.0e+00;
	v43 =	vmul.f32 v43, v5  }
0x1b3: {  	v27 =	vmax.f32 v27, $0.0e+00;
	v25 =	vmax.f32 v25, $0.0e+00;
	v44 =	vmul.f32 v44, v5  }
0x1b4: {  	v29 =	vmax.f32 v29, $0.0e+00;
	v16 =	vmax.f32 v16, $0.0e+00;
	v45 =	vmul.f32 v45, v5  }
0x1b5: {  	v30 =	vmax.f32 v30, $0.0e+00;
	v20 =	vmax.f32 v20, $0.0e+00;
	v46 =	vmul.f32 v46, v5  }
0x1b6: {  	v31 =	vmax.f32 v31, $0.0e+00;
	v23 =	vmax.f32 v23, $0.0e+00;
	v47 =	vmul.f32 v47, v5  }
0x1b7: {  	v6 =	vmin.f32 v6, $2.450000000e+01;
	v19 =	vadd.f32 $1.250000000e+01, v19;
	v32 =	vadd.f32 $1.250000000e+01, v32  }
0x1b8: {  	v7 =	vmin.f32 v7, $2.450000000e+01;
	v21 =	vadd.f32 $1.250000000e+01, v21;
	v24 =	vadd.f32 $1.250000000e+01, v24  }
0x1b9: {  	v8 =	vmin.f32 v8, $2.450000000e+01;
	v33 =	vadd.f32 $1.250000000e+01, v33;
	v26 =	vadd.f32 $1.250000000e+01, v26  }
0x1ba: {  	v9 =	vmin.f32 v9, $2.450000000e+01;
	v28 =	vadd.f32 $1.250000000e+01, v28;
	v34 =	vadd.f32 $1.250000000e+01, v34  }
0x1bb: {  	v10 =	vmin.f32 v10, $2.450000000e+01;
	v35 =	vadd.f32 $1.250000000e+01, v35;
	v36 =	vadd.f32 $1.250000000e+01, v36  }
0x1bc: {  	v11 =	vmin.f32 v11, $2.450000000e+01;
	v37 =	vadd.f32 $1.250000000e+01, v37;
	v38 =	vadd.f32 $1.250000000e+01, v38  }
0x1bd: {  	v17 =	vmin.f32 v17, $2.450000000e+01;
	v39 =	vadd.f32 $1.250000000e+01, v39;
	v40 =	vadd.f32 $1.250000000e+01, v40  }
0x1be: {  	v15 =	vmin.f32 v15, $2.450000000e+01;
	v41 =	vadd.f32 $1.250000000e+01, v41;
	v42 =	vadd.f32 $1.250000000e+01, v42  }
0x1bf: {  	v12 =	vmin.f32 v12, $2.450000000e+01;
	v43 =	vadd.f32 $1.250000000e+01, v43;
	v44 =	vadd.f32 $1.250000000e+01, v44  }
0x1c0: {  	v14 =	vmin.f32 v14, $2.450000000e+01;
	v45 =	vadd.f32 $1.250000000e+01, v45;
	v46 =	vadd.f32 $1.250000000e+01, v46  }
0x1c1: {  	v18 =	vmin.f32 v18, $2.450000000e+01;
	v22 =	vmin.f32 v22, $2.450000000e+01;
	v47 =	vadd.f32 $1.250000000e+01, v47  }
0x1c2: {  	v27 =	vmin.f32 v27, $2.450000000e+01;
	v13 =	vmin.f32 v13, $2.450000000e+01;
	v25 =	vmin.f32 v25, $2.450000000e+01  }
0x1c3: {  	v29 =	vmin.f32 v29, $2.450000000e+01;
	v30 =	vmin.f32 v30, $2.450000000e+01;
	v16 =	vmin.f32 v16, $2.450000000e+01  }
0x1c4: {  	v20 =	vmin.f32 v20, $2.450000000e+01;
	v31 =	vmin.f32 v31, $2.450000000e+01;
	v23 =	vmin.f32 v23, $2.450000000e+01  }
0x1c5: {  	v6 =	vtrunc.f32 v6;
	v7 =	vtrunc.f32 v7;
	v19 =	vmax.f32 v19, $0.0e+00  }
0x1c6: {  	v8 =	vtrunc.f32 v8;
	v9 =	vtrunc.f32 v9;
	v32 =	vmax.f32 v32, $0.0e+00  }
0x1c7: {  	v10 =	vtrunc.f32 v10;
	v11 =	vtrunc.f32 v11;
	v21 =	vmax.f32 v21, $0.0e+00  }
0x1c8: {  	v17 =	vtrunc.f32 v17;
	v15 =	vtrunc.f32 v15;
	v24 =	vmax.f32 v24, $0.0e+00  }
0x1c9: {  	v12 =	vtrunc.f32 v12;
	v14 =	vtrunc.f32 v14;
	v33 =	vmax.f32 v33, $0.0e+00  }
0x1ca: {  	v18 =	vtrunc.f32 v18;
	v22 =	vtrunc.f32 v22;
	v26 =	vmax.f32 v26, $0.0e+00  }
0x1cb: {  	v13 =	vtrunc.f32 v13;
	v25 =	vtrunc.f32 v25;
	v28 =	vmax.f32 v28, $0.0e+00  }
0x1cc: {  	v27 =	vtrunc.f32 v27;
	v16 =	vtrunc.f32 v16;
	v34 =	vmax.f32 v34, $0.0e+00  }
0x1cd: {  	v29 =	vtrunc.f32 v29;
	v30 =	vtrunc.f32 v30;
	v35 =	vmax.f32 v35, $0.0e+00  }
0x1ce: {  	v20 =	vtrunc.f32 v20;
	v31 =	vtrunc.f32 v31;
	v36 =	vmax.f32 v36, $0.0e+00  }
0x1cf: {  	v23 =	vtrunc.f32 v23;
	v37 =	vmax.f32 v37, $0.0e+00;
	v38 =	vmax.f32 v38, $0.0e+00  }
0x1d0: {  	v39 =	vmax.f32 v39, $0.0e+00;
	v40 =	vmax.f32 v40, $0.0e+00;
	v41 =	vmax.f32 v41, $0.0e+00  }
0x1d1: {  	v42 =	vmax.f32 v42, $0.0e+00;
	v43 =	vmax.f32 v43, $0.0e+00;
	v44 =	vmax.f32 v44, $0.0e+00  }
0x1d2: {  	v45 =	vmax.f32 v45, $0.0e+00;
	v46 =	vmax.f32 v46, $0.0e+00;
	v47 =	vmax.f32 v47, $0.0e+00  }
0x1d3: {  	v6 =	vcvt.f32.s32 v6;
	v7 =	vcvt.f32.s32 v7;
	v19 =	vmin.f32 v19, $2.450000000e+01  }
0x1d4: {  	v8 =	vcvt.f32.s32 v8;
	v9 =	vcvt.f32.s32 v9;
	v32 =	vmin.f32 v32, $2.450000000e+01  }
0x1d5: {  	v10 =	vcvt.f32.s32 v10;
	v11 =	vcvt.f32.s32 v11;
	v21 =	vmin.f32 v21, $2.450000000e+01  }
0x1d6: {  	v17 =	vcvt.f32.s32 v17;
	v15 =	vcvt.f32.s32 v15;
	v24 =	vmin.f32 v24, $2.450000000e+01  }
0x1d7: {  	v12 =	vcvt.f32.s32 v12;
	v14 =	vcvt.f32.s32 v14;
	v33 =	vmin.f32 v33, $2.450000000e+01  }
0x1d8: {  	v18 =	vcvt.f32.s32 v18;
	v22 =	vcvt.f32.s32 v22;
	v26 =	vmin.f32 v26, $2.450000000e+01  }
0x1d9: {  	v13 =	vcvt.f32.s32 v13;
	v25 =	vcvt.f32.s32 v25;
	v28 =	vmin.f32 v28, $2.450000000e+01  }
0x1da: {  	v27 =	vcvt.f32.s32 v27;
	v16 =	vcvt.f32.s32 v16;
	v34 =	vmin.f32 v34, $2.450000000e+01  }
0x1db: {  	v29 =	vcvt.f32.s32 v29;
	v30 =	vcvt.f32.s32 v30;
	v35 =	vmin.f32 v35, $2.450000000e+01  }
0x1dc: {  	v20 =	vcvt.f32.s32 v20;
	v31 =	vcvt.f32.s32 v31;
	v36 =	vmin.f32 v36, $2.450000000e+01  }
0x1dd: {  	v23 =	vcvt.f32.s32 v23;
	v37 =	vmin.f32 v37, $2.450000000e+01;
	v38 =	vmin.f32 v38, $2.450000000e+01  }
0x1de: {  	v39 =	vmin.f32 v39, $2.450000000e+01;
	v40 =	vmin.f32 v40, $2.450000000e+01;
	v41 =	vmin.f32 v41, $2.450000000e+01  }
0x1df: {  	v42 =	vmin.f32 v42, $2.450000000e+01;
	v43 =	vmin.f32 v43, $2.450000000e+01;
	v44 =	vmin.f32 v44, $2.450000000e+01  }
0x1e0: {  	v45 =	vmin.f32 v45, $2.450000000e+01;
	v46 =	vmin.f32 v46, $2.450000000e+01;
	v47 =	vmin.f32 v47, $2.450000000e+01  }
0x1e1: {  	v6 =	vmul.u32 $0x19, v6;
	v19 =	vtrunc.f32 v19;
	v32 =	vtrunc.f32 v32  }
0x1e2: {  	v7 =	vmul.u32 $0x19, v7;
	v21 =	vtrunc.f32 v21;
	v24 =	vtrunc.f32 v24  }
0x1e3: {  	v8 =	vmul.u32 $0x19, v8;
	v33 =	vtrunc.f32 v33;
	v26 =	vtrunc.f32 v26  }
0x1e4: {  	v9 =	vmul.u32 $0x19, v9;
	v28 =	vtrunc.f32 v28;
	v34 =	vtrunc.f32 v34  }
0x1e5: {  	v10 =	vmul.u32 $0x19, v10;
	v35 =	vtrunc.f32 v35;
	v36 =	vtrunc.f32 v36  }
0x1e6: {  	v11 =	vmul.u32 $0x19, v11;
	v37 =	vtrunc.f32 v37;
	v38 =	vtrunc.f32 v38  }
0x1e7: {  	v17 =	vmul.u32 $0x19, v17;
	v39 =	vtrunc.f32 v39;
	v40 =	vtrunc.f32 v40  }
0x1e8: {  	v15 =	vmul.u32 $0x19, v15;
	v41 =	vtrunc.f32 v41;
	v42 =	vtrunc.f32 v42  }
0x1e9: {  	v12 =	vmul.u32 $0x19, v12;
	v43 =	vtrunc.f32 v43;
	v44 =	vtrunc.f32 v44  }
0x1ea: {  	v14 =	vmul.u32 $0x19, v14;
	v45 =	vtrunc.f32 v45;
	v46 =	vtrunc.f32 v46  }
0x1eb: {  	v18 =	vmul.u32 $0x19, v18;
	v48 =	vmul.u32 $0x19, v22;
	v47 =	vtrunc.f32 v47  }
0x1ec: {  	v27 =	vmul.u32 $0x19, v27;
	v13 =	vmul.u32 $0x19, v13;
	v25 =	vmul.u32 $0x19, v25  }
0x1ed: {  	v29 =	vmul.u32 $0x19, v29;
	v30 =	vmul.u32 $0x19, v30;
	v16 =	vmul.u32 $0x19, v16  }
0x1ee: {  	v49 =	vmul.u32 $0x19, v20;
	v31 =	vmul.u32 $0x19, v31;
	v50 =	vmul.u32 $0x19, v23  }
0x1ef: {  	v19 =	vcvt.f32.s32 v19;
	v20 =	vcvt.f32.s32 v32  }
0x1f0: {  	v21 =	vcvt.f32.s32 v21;
	v22 =	vcvt.f32.s32 v24  }
0x1f1: {  	v6 =	vadd.s32 v19, v6;
	v19 =	vcvt.f32.s32 v33;
	v23 =	vcvt.f32.s32 v26  }
0x1f2: {  	v26 =	vadd.s32 v20, v7;
	v7 =	vcvt.f32.s32 v28;
	v20 =	vcvt.f32.s32 v34  }
0x1f3: {  	v28 =	vadd.s32 v21, v8;
	v8 =	vcvt.f32.s32 v35;
	v32 =	vcvt.f32.s32 v36  }
0x1f4: {  	v9 =	vadd.s32 v22, v9;
	v33 =	vcvt.f32.s32 v37;
	v34 =	vcvt.f32.s32 v38  }
0x1f5: {  	v10 =	vadd.s32 v19, v10;
	v19 =	vcvt.f32.s32 v39;
	v35 =	vcvt.f32.s32 v40  }
0x1f6: {  	v11 =	vadd.s32 v23, v11;
	v36 =	vcvt.f32.s32 v41;
	v37 =	vcvt.f32.s32 v42  }
0x1f7: {  	v38 =	vadd.s32 v7, v17;
	v7 =	vcvt.f32.s32 v43;
	v39 =	vcvt.f32.s32 v44  }
0x1f8: {  	v21 =	vadd.s32 v20, v15;
	v40 =	vcvt.f32.s32 v45;
	v41 =	vcvt.f32.s32 v46  }
0x1f9: {  	v24 =	vadd.s32 v8, v12;
	v22 =	vadd.s32 v32, v14;
	v12 =	vcvt.f32.s32 v47  }
0x1fa: {  	v23 =	vadd.s32 v33, v18;
	v20 =	vadd.s32 v34, v48;
	v19 =	vadd.s32 v19, v13  }
0x1fb: {  	v18 =	vadd.s32 v35, v25;
	v17 =	vadd.s32 v36, v27;
	v15 =	vadd.s32 v37, v16  }
.Ltmp5:
0x1fc: {  	v16 =	vadd.s32 v7, v29;
	v14 =	vadd.s32 v39, v30;
	v8 =	vadd.s32 v40, v49;
	(pc) =	sbr.rel @p2 .LBB2_5-.Ltmp5, $4  }
0x1fd: {  	v13 =	vcvt.s32.f32 v6;
	v6 =	vadd.s32 v41, v31;
	v7 =	vadd.s32 v12, v50  }
0x1fe: {  	v25 =	vcvt.s32.f32 v26;
	v12 =	vcvt.s32.f32 v28  }
0x1ff: {  	v10 =	vcvt.s32.f32 v10;
	[tilespmem:s29+$0xFFFFFF40] =	vst v13;
	v13 =	vcvt.s32.f32 v9  }
0x200: {  	s0 =	sadd.s32 $0x190, s0;
	v11 =	vcvt.s32.f32 v11;
	v9 =	vcvt.s32.f32 v38;
	[tilespmem:s29+$0xFFFFFF50] =	vst v25  }
0x201: {  	[tilespmem:s29+$0xFFFFFF60] =	vst v12  }
0x202: {  	[tilespmem:s29+$0xFFFFFF70] =	vst v13  }
0x203: {  	[tilespmem:s29+$0xFFFFFF80] =	vst v10  }
0x204: {  	v53 =	vcvt.s32.f32 v21;
	[tilespmem:s29+$0xFFFFFF90] =	vst v11  }
0x205: {  	v54 =	vcvt.s32.f32 v24;
	[tilespmem:s29+$0xFFFFFFA0] =	vst v9  }
0x206: {  	v55 =	vcvt.s32.f32 v22;
	[tilespmem:s29+$0xFFFFFFB0] =	vst v53  }
0x207: {  	v56 =	vcvt.s32.f32 v23;
	[tilespmem:s29+$0xFFFFFFD0] =	vst v54  }
0x208: {  	v57 =	vcvt.s32.f32 v20;
	[tilespmem:s29+$0xFFFFFFE0] =	vst v55  }
0x209: {  	v58 =	vcvt.s32.f32 v19;
	[tilespmem:s29+$0xFFFFFFF0] =	vst v56  }
0x20a: {  	v59 =	vcvt.s32.f32 v18;
	[tilespmem:s29+$0x0] =	vst v57  }
0x20b: {  	v60 =	vcvt.s32.f32 v17;
	[tilespmem:s29+$0x10] =	vst v58  }
0x20c: {  	v61 =	vcvt.s32.f32 v15;
	[tilespmem:s29+$0x20] =	vst v59  }
0x20d: {  	v62 =	vcvt.s32.f32 v16;
	[tilespmem:s29+$0x30] =	vst v60  }
0x20e: {  	v63 =	vcvt.s32.f32 v14;
	[tilespmem:s29+$0x50] =	vst v61  }
0x20f: {  	v8 =	vcvt.s32.f32 v8;
	[tilespmem:s29+$0x60] =	vst v62  }
0x210: {  	s0 =	sadd.s32 $0x2, s31;
	v6 =	vcvt.s32.f32 v6;
	[tilespmem:s29+$0x70] =	vst v63  }
0x211: {  	v7 =	vcvt.s32.f32 v7;
	s4 =	smul.u32 $0x4E2, s30;
	p2 =	sge.u32 s0, s8;
	[tilespmem:s29+$0x80] =	vst v8  }
0x212: {  	s0 =	sshll.u32 @!p2 s0, $0x5;
	[tilespmem:s29+$0x90] =	vst v6  }
0x213: {  	[tilespmem:s29+$0xA0] =	vst v7;
	s4 =	sadd.s32 s2, s4;
	s0 =	sor.u32 @!p2 s7, s0  }
0x214: {  	[hbm4b:s4+s3] =	stream.linear.scatter [tilespmem:s17], [sflag:$0x3], $0x2710, $0x38;
	[tilespmem:$0xED80] =	vst v63  }
0x215: {  	s0 =	smul.u32 @!p2 $0x4E2, s0  }
.Ltmp6:
0x216: {  	_ = 	snop;
	(pc) =	sbr.rel @p0 .LBB2_10-.Ltmp6, $4  }
0x217: {  	s26 =	simm.s32 @!p2 $0x0;
	s28 =	simm.s32 @!p2 $0x80;
	s4 =	sadd.s32 @!p2 s6, s0  }
0x218: {  	[tilespmem:s28], [sflag:$0x1] =	stream.linear.gather @!p2 [hbm4b:s4+s26], $0x2710, $0x38;
	[tilespmem:$0xED80] =	vst v63  }
0x219: {  	s0 =	sadd.s32 @!p2 s1, s0;
	s4 =	simm.s32 @!p2 $0x2800  }
0x21a: {  	[tilespmem:s4], [sflag:$0x2] =	stream.linear.gather @!p2 [hbm4b:s0+s26], $0x2710, $0x38;
	[tilespmem:$0xED80] =	vst v63  }
0x21b: {  	_ =	swait.ge [sflag:s18], $0x2710  }
0x21c: {  	[sflag:s18] =	ssyncset.done $0x0  }
0x21d: {  	[sflag:s18] =	ssyncadd.s32 $0xFFFFD8F0  }
0x21e: {  	_ =	swait.ge [sflag:s19], $0x2710  }
0x21f: {  	[sflag:s19] =	ssyncset.done $0x0  }
0x220: {  	s0 =	simm.s32 @!p1 $0x6;
	[sflag:s19] =	ssyncadd.s32 $0xFFFFD8F0  }
0x221: {  	_ =	swait.ge @!p1 [sflag:s0], $0x2710  }
0x222: {  	[sflag:s0] =	ssyncset.done @!p1 $0x0  }
0x223: {  	s4 =	simm.s32 $0x9F40;
	[sflag:s0] =	ssyncadd.s32 @!p1 $0xFFFFD8F0  }
0x224: {  	v6 =	vld [tilespmem:s4+$0xB0]  }
0x225: {  	s26 =	simm.s32 $0x77C0;
	v7 =	vld [tilespmem:s4+$0xFFFFFF40]  }
0x226: {  	v8 =	vld [tilespmem:s26+$0xB0]  }
0x227: {  	v9 =	vld [tilespmem:s4+$0xFFFFFF50]  }
0x228: {  	v11 =	vld [tilespmem:s4+$0xFFFFFF60]  }
0x229: {  	v12 =	vld [tilespmem:s4+$0xFFFFFF70]  }
0x22a: {  	s28 =	simm.s32 $0x0;
	v13 =	vld [tilespmem:s4+$0xFFFFFF80]  }
0x22b: {  	s30 =	sand.u32 $0x3FF0, s28;
	v15 =	vld [tilespmem:s4+$0xFFFFFFA0]  }
0x22c: {  	v16 =	vld [tilespmem:s30+$0x9F00]  }
0x22d: {  	v18 =	vld [tilespmem:s30+$0x9F80]  }
0x22e: {  	v20 =	vld [tilespmem:s30+$0x7800]  }
0x22f: {  	v21 =	vld [tilespmem:s4+$0xFFFFFFB0]  }
0x230: {  	v22 =	vld [tilespmem:s4+$0xFFFFFFE0]  }
0x231: {  	v23 =	vld [tilespmem:s4+$0xFFFFFFF0]  }
0x232: {  	v24 =	vld [tilespmem:s4+$0x0]  }
0x233: {  	v25 =	vld [tilespmem:s4+$0x10]  }
0x234: {  	v26 =	vld [tilespmem:s4+$0x20];
	v6 =	vmul.f32 v6, v5;
	v7 =	vmul.f32 v7, v5  }
0x235: {  	v27 =	vld [tilespmem:s4+$0x30];
	v8 =	vmul.f32 v8, v5;
	v9 =	vmul.f32 v9, v5  }
0x236: {  	v28 =	vld [tilespmem:s4+$0x50];
	v11 =	vmul.f32 v11, v5;
	v12 =	vmul.f32 v12, v5  }
0x237: {  	v29 =	vld [tilespmem:s4+$0x60];
	v13 =	vmul.f32 v13, v5;
	v15 =	vmul.f32 v15, v5  }
0x238: {  	v30 =	vld [tilespmem:s4+$0x70];
	v16 =	vmul.f32 v16, v5;
	v18 =	vmul.f32 v18, v5  }
0x239: {  	v31 =	vld [tilespmem:s4+$0x90];
	v20 =	vmul.f32 v20, v5;
	v21 =	vmul.f32 v21, v5  }
0x23a: {  	v32 =	vld [tilespmem:s4+$0xA0];
	v22 =	vmul.f32 v22, v5;
	v23 =	vmul.f32 v23, v5  }
0x23b: {  	v33 =	vld [tilespmem:s26+$0xFFFFFF40];
	v24 =	vmul.f32 v24, v5;
	v25 =	vmul.f32 v25, v5  }
0x23c: {  	v34 =	vld [tilespmem:s26+$0xFFFFFF60];
	v26 =	vmul.f32 v26, v5;
	v27 =	vmul.f32 v27, v5  }
0x23d: {  	v35 =	vld [tilespmem:s26+$0xFFFFFF70];
	v28 =	vmul.f32 v28, v5;
	v29 =	vmul.f32 v29, v5  }
0x23e: {  	v36 =	vld [tilespmem:s26+$0xFFFFFF90];
	v30 =	vmul.f32 v30, v5;
	v31 =	vmul.f32 v31, v5  }
0x23f: {  	v37 =	vld [tilespmem:s26+$0xFFFFFFA0];
	v32 =	vmul.f32 v32, v5;
	v6 =	vadd.f32 $1.250000000e+01, v6;
	v10 =	vadd.f32 $1.250000000e+01, v7  }
0x240: {  	v38 =	vld [tilespmem:s26+$0xFFFFFFB0];
	v33 =	vmul.f32 v33, v5;
	v7 =	vadd.f32 $1.250000000e+01, v8;
	v19 =	vadd.f32 $1.250000000e+01, v9  }
0x241: {  	v39 =	vld [tilespmem:s26+$0xFFFFFFD0];
	v34 =	vmul.f32 v34, v5;
	v11 =	vadd.f32 $1.250000000e+01, v11;
	v16 =	vadd.f32 $1.250000000e+01, v16  }
0x242: {  	v40 =	vld [tilespmem:s26+$0xFFFFFFE0];
	v35 =	vmul.f32 v35, v5;
	v18 =	vadd.f32 $1.250000000e+01, v18;
	v20 =	vadd.f32 $1.250000000e+01, v20  }
0x243: {  	v41 =	vld [tilespmem:s26+$0xFFFFFFF0];
	v36 =	vmul.f32 v36, v5;
	v12 =	vadd.f32 $1.250000000e+01, v12;
	v13 =	vadd.f32 $1.250000000e+01, v13  }
0x244: {  	v42 =	vld [tilespmem:s26+$0x0];
	v37 =	vmul.f32 v37, v5;
	v15 =	vadd.f32 $1.250000000e+01, v15;
	v21 =	vadd.f32 $1.250000000e+01, v21  }
0x245: {  	v43 =	vld [tilespmem:s26+$0x10];
	v38 =	vmul.f32 v38, v5;
	v22 =	vadd.f32 $1.250000000e+01, v22;
	v23 =	vadd.f32 $1.250000000e+01, v23  }
0x246: {  	v44 =	vld [tilespmem:s26+$0x20];
	v39 =	vmul.f32 v39, v5;
	v24 =	vadd.f32 $1.250000000e+01, v24;
	v25 =	vadd.f32 $1.250000000e+01, v25  }
0x247: {  	v46 =	vld [tilespmem:s26+$0x50];
	v40 =	vmul.f32 v40, v5;
	v26 =	vadd.f32 $1.250000000e+01, v26;
	v27 =	vadd.f32 $1.250000000e+01, v27  }
0x248: {  	v47 =	vld [tilespmem:s26+$0x60];
	v41 =	vmul.f32 v41, v5;
	v28 =	vadd.f32 $1.250000000e+01, v28;
	v29 =	vadd.f32 $1.250000000e+01, v29  }
0x249: {  	v48 =	vld [tilespmem:s26+$0x70];
	v42 =	vmul.f32 v42, v5;
	v30 =	vadd.f32 $1.250000000e+01, v30;
	v31 =	vadd.f32 $1.250000000e+01, v31  }
0x24a: {  	v14 =	vld [tilespmem:s4+$0xFFFFFF90];
	v43 =	vmul.f32 v43, v5;
	v32 =	vadd.f32 $1.250000000e+01, v32;
	v59 =	vadd.f32 $1.250000000e+01, v34  }
0x24b: {  	v61 =	vld [tilespmem:s26+$0x30];
	v44 =	vmul.f32 v44, v5;
	v60 =	vadd.f32 $1.250000000e+01, v35;
	v36 =	vadd.f32 $1.250000000e+01, v36  }
0x24c: {  	v46 =	vmul.f32 v46, v5;
	v37 =	vadd.f32 $1.250000000e+01, v37;
	v38 =	vadd.f32 $1.250000000e+01, v38  }
0x24d: {  	v63 =	vmul.f32 v47, v5;
	v39 =	vadd.f32 $1.250000000e+01, v39;
	v40 =	vadd.f32 $1.250000000e+01, v40  }
0x24e: {  	v49 =	vmul.f32 v48, v5;
	v41 =	vadd.f32 $1.250000000e+01, v41;
	v42 =	vadd.f32 $1.250000000e+01, v42  }
0x24f: {  	v9 =	vmul.f32 v14, v5;
	v43 =	vadd.f32 $1.250000000e+01, v43;
	v44 =	vadd.f32 $1.250000000e+01, v44  }
0x250: {  	v35 =	vmul.f32 v61, v5;
	v46 =	vadd.f32 $1.250000000e+01, v46;
	v47 =	vadd.f32 $1.250000000e+01, v49  }
0x251: {  	v6 =	vmax.f32 v6, $0.0e+00;
	v7 =	vmax.f32 v7, $0.0e+00;
	v16 =	vmax.f32 v16, $0.0e+00  }
0x252: {  	v18 =	vmax.f32 v18, $0.0e+00;
	v20 =	vmax.f32 v20, $0.0e+00;
	v10 =	vmax.f32 v10, $0.0e+00  }
0x253: {  	v19 =	vmax.f32 v19, $0.0e+00;
	v11 =	vmax.f32 v11, $0.0e+00;
	v12 =	vmax.f32 v12, $0.0e+00  }
0x254: {  	v45 =	vmax.f32 v13, $0.0e+00;
	v15 =	vmax.f32 v15, $0.0e+00;
	v21 =	vmax.f32 v21, $0.0e+00  }
0x255: {  	v13 =	vadd.f32 $1.250000000e+01, v33;
	v33 =	vmax.f32 v59, $0.0e+00;
	v34 =	vmax.f32 v60, $0.0e+00  }
0x256: {  	v22 =	vmax.f32 v22, $0.0e+00;
	v23 =	vmax.f32 v23, $0.0e+00;
	v24 =	vmax.f32 v24, $0.0e+00  }
0x257: {  	v25 =	vmax.f32 v25, $0.0e+00;
	v26 =	vmax.f32 v26, $0.0e+00;
	v27 =	vmax.f32 v27, $0.0e+00  }
0x258: {  	v28 =	vmax.f32 v28, $0.0e+00;
	v29 =	vmax.f32 v29, $0.0e+00;
	v30 =	vmax.f32 v30, $0.0e+00  }
0x259: {  	v31 =	vmax.f32 v31, $0.0e+00;
	v32 =	vmax.f32 v32, $0.0e+00;
	v36 =	vmax.f32 v36, $0.0e+00  }
0x25a: {  	v37 =	vmax.f32 v37, $0.0e+00;
	v38 =	vmax.f32 v38, $0.0e+00;
	v39 =	vmax.f32 v39, $0.0e+00  }
0x25b: {  	v40 =	vmax.f32 v40, $0.0e+00;
	v41 =	vmax.f32 v41, $0.0e+00;
	v42 =	vmax.f32 v42, $0.0e+00  }
0x25c: {  	v43 =	vmax.f32 v43, $0.0e+00;
	v44 =	vmax.f32 v44, $0.0e+00;
	v46 =	vmax.f32 v46, $0.0e+00  }
0x25d: {  	v47 =	vmax.f32 v47, $0.0e+00;
	v6 =	vmin.f32 v6, $2.450000000e+01;
	v7 =	vmin.f32 v7, $2.450000000e+01  }
0x25e: {  	v16 =	vmin.f32 v16, $2.450000000e+01;
	v18 =	vmin.f32 v18, $2.450000000e+01;
	v20 =	vmin.f32 v20, $2.450000000e+01  }
0x25f: {  	v10 =	vmin.f32 v10, $2.450000000e+01;
	v19 =	vmin.f32 v19, $2.450000000e+01;
	v11 =	vmin.f32 v11, $2.450000000e+01  }
0x260: {  	v12 =	vmin.f32 v12, $2.450000000e+01;
	v33 =	vmin.f32 v33, $2.450000000e+01;
	v34 =	vmin.f32 v34, $2.450000000e+01  }
0x261: {  	v45 =	vmin.f32 v45, $2.450000000e+01;
	v15 =	vmin.f32 v15, $2.450000000e+01;
	v21 =	vmin.f32 v21, $2.450000000e+01  }
0x262: {  	v22 =	vmin.f32 v22, $2.450000000e+01;
	v23 =	vmin.f32 v23, $2.450000000e+01;
	v24 =	vmin.f32 v24, $2.450000000e+01  }
0x263: {  	v25 =	vmin.f32 v25, $2.450000000e+01;
	v26 =	vmin.f32 v26, $2.450000000e+01;
	v6 =	vtrunc.f32 v6  }
0x264: {  	v27 =	vmin.f32 v27, $2.450000000e+01;
	v7 =	vtrunc.f32 v7;
	v16 =	vtrunc.f32 v16  }
0x265: {  	v28 =	vmin.f32 v28, $2.450000000e+01;
	v18 =	vtrunc.f32 v18;
	v20 =	vtrunc.f32 v20  }
0x266: {  	v29 =	vmin.f32 v29, $2.450000000e+01;
	v10 =	vtrunc.f32 v10;
	v19 =	vtrunc.f32 v19  }
0x267: {  	v30 =	vmin.f32 v30, $2.450000000e+01;
	v11 =	vtrunc.f32 v11;
	v12 =	vtrunc.f32 v12  }
0x268: {  	v31 =	vmin.f32 v31, $2.450000000e+01;
	v33 =	vtrunc.f32 v33;
	v34 =	vtrunc.f32 v34  }
0x269: {  	v32 =	vmin.f32 v32, $2.450000000e+01;
	v45 =	vtrunc.f32 v45;
	v15 =	vtrunc.f32 v15  }
0x26a: {  	v36 =	vmin.f32 v36, $2.450000000e+01;
	v21 =	vtrunc.f32 v21;
	v22 =	vtrunc.f32 v22  }
0x26b: {  	v37 =	vmin.f32 v37, $2.450000000e+01;
	v23 =	vtrunc.f32 v23;
	v24 =	vtrunc.f32 v24  }
0x26c: {  	v38 =	vmin.f32 v38, $2.450000000e+01;
	v25 =	vtrunc.f32 v25;
	v26 =	vtrunc.f32 v26  }
0x26d: {  	v39 =	vmin.f32 v39, $2.450000000e+01;
	v27 =	vtrunc.f32 v27;
	v28 =	vtrunc.f32 v28  }
0x26e: {  	v40 =	vmin.f32 v40, $2.450000000e+01;
	v29 =	vtrunc.f32 v29;
	v30 =	vtrunc.f32 v30  }
0x26f: {  	v41 =	vmin.f32 v41, $2.450000000e+01;
	v31 =	vtrunc.f32 v31;
	v32 =	vtrunc.f32 v32  }
0x270: {  	v42 =	vmin.f32 v42, $2.450000000e+01;
	v36 =	vtrunc.f32 v36;
	v37 =	vtrunc.f32 v37  }
0x271: {  	v8 =	vld [tilespmem:s30+$0xA000];
	v43 =	vmin.f32 v43, $2.450000000e+01;
	v38 =	vtrunc.f32 v38;
	v39 =	vtrunc.f32 v39  }
0x272: {  	v14 =	vld [tilespmem:s30+$0x7780];
	v44 =	vmin.f32 v44, $2.450000000e+01;
	v40 =	vtrunc.f32 v40;
	v41 =	vtrunc.f32 v41  }
0x273: {  	v46 =	vmin.f32 v46, $2.450000000e+01;
	v42 =	vtrunc.f32 v42;
	v43 =	vtrunc.f32 v43  }
0x274: {  	v47 =	vmin.f32 v47, $2.450000000e+01;
	v44 =	vtrunc.f32 v44;
	v46 =	vtrunc.f32 v46  }
0x275: {  	v47 =	vtrunc.f32 v47;
	v6 =	vcvt.f32.s32 v6  }
0x276: {  	v7 =	vcvt.f32.s32 v7;
	v8 =	vmul.f32 v8, v5  }
0x277: {  	v14 =	vmul.f32 v14, v5;
	v18 =	vcvt.f32.s32 v18  }
0x278: {  	v20 =	vcvt.f32.s32 v20;
	v10 =	vcvt.f32.s32 v10  }
0x279: {  	v19 =	vcvt.f32.s32 v19;
	v11 =	vcvt.f32.s32 v11  }
0x27a: {  	v12 =	vcvt.f32.s32 v12;
	v33 =	vcvt.f32.s32 v33  }
0x27b: {  	v34 =	vcvt.f32.s32 v34;
	v45 =	vcvt.f32.s32 v45  }
0x27c: {  	v15 =	vcvt.f32.s32 v15;
	v21 =	vcvt.f32.s32 v21  }
0x27d: {  	v22 =	vcvt.f32.s32 v22;
	v23 =	vcvt.f32.s32 v23  }
0x27e: {  	v24 =	vcvt.f32.s32 v24;
	v25 =	vcvt.f32.s32 v25  }
0x27f: {  	v26 =	vcvt.f32.s32 v26;
	v27 =	vcvt.f32.s32 v27  }
0x280: {  	v28 =	vcvt.f32.s32 v28;
	v29 =	vcvt.f32.s32 v29  }
0x281: {  	v35 =	vadd.f32 $1.250000000e+01, v35;
	v30 =	vcvt.f32.s32 v30;
	v31 =	vcvt.f32.s32 v31  }
0x282: {  	v13 =	vmax.f32 v13, $0.0e+00;
	v32 =	vcvt.f32.s32 v32;
	v51 =	vcvt.f32.s32 v38  }
0x283: {  	v17 =	vld [tilespmem:s30+$0x7880];
	v35 =	vmax.f32 v35, $0.0e+00;
	v52 =	vcvt.f32.s32 v39;
	v53 =	vcvt.f32.s32 v40  }
0x284: {  	v13 =	vmin.f32 v13, $2.450000000e+01;
	v54 =	vcvt.f32.s32 v41;
	v55 =	vcvt.f32.s32 v42  }
0x285: {  	v35 =	vmin.f32 v35, $2.450000000e+01;
	v57 =	vcvt.f32.s32 v44;
	v59 =	vcvt.f32.s32 v46  }
0x286: {  	v61 =	vcvt.f32.s32 v47;
	v13 =	vtrunc.f32 v13;
	v6 =	vmul.u32 $0x19, v6  }
0x287: {  	v35 =	vtrunc.f32 v35;
	v8 =	vadd.f32 $1.250000000e+01, v8;
	v14 =	vadd.f32 $1.250000000e+01, v14  }
0x288: {  	v18 =	vmul.u32 $0x19, v18;
	v6 =	vadd.s32 v7, v6;
	v7 =	vmul.f32 v17, v5  }
0x289: {  	v10 =	vmul.u32 $0x19, v10;
	v13 =	vcvt.f32.s32 v13;
	v19 =	vmul.u32 $0x19, v19  }
0x28a: {  	v45 =	vmul.u32 $0x19, v45;
	v8 =	vmax.f32 v8, $0.0e+00;
	v7 =	vadd.f32 $1.250000000e+01, v7  }
0x28b: {  	v15 =	vmul.u32 $0x19, v15;
	v21 =	vmul.u32 $0x19, v21;
	v8 =	vmin.f32 v8, $2.450000000e+01  }
0x28c: {  	v22 =	vmul.u32 $0x19, v22;
	v8 =	vtrunc.f32 v8;
	v7 =	vmax.f32 v7, $0.0e+00  }
0x28d: {  	v23 =	vmul.u32 $0x19, v23;
	v8 =	vcvt.f32.s32 v8;
	v7 =	vmin.f32 v7, $2.450000000e+01  }
0x28e: {  	v48 =	vmul.u32 $0x19, v24;
	v25 =	vmul.u32 $0x19, v25;
	v7 =	vtrunc.f32 v7  }
0x28f: {  	v26 =	vmul.u32 $0x19, v26;
	v8 =	vmul.u32 $0x19, v8;
	v7 =	vcvt.f32.s32 v7  }
0x290: {  	v27 =	vmul.u32 $0x19, v27;
	v17 =	vld [tilespmem:s4+$0xFFFFFFD0];
	v14 =	vmax.f32 v14, $0.0e+00;
	v18 =	vadd.s32 v20, v18  }
0x291: {  	v7 =	vadd.s32 v7, v8;
	v8 =	vmin.f32 v14, $2.450000000e+01;
	v14 =	vcvt.f32.s32 v16  }
0x292: {  	v20 =	vadd.f32 $1.250000000e+01, v9;
	v9 =	vcvt.s32.f32 v18;
	v18 =	vld [tilespmem:s26+$0xFFFFFF80];
	v8 =	vtrunc.f32 v8  }
0x293: {  	v28 =	vmul.u32 $0x19, v28;
	v8 =	vcvt.f32.s32 v8;
	v14 =	vmul.u32 $0x19, v14  }
0x294: {  	v29 =	vmul.u32 $0x19, v29;
	v30 =	vmul.u32 $0x19, v30;
	v24 =	vcvt.f32.s32 v36  }
0x295: {  	v20 =	vmax.f32 v20, $0.0e+00;
	v8 =	vadd.s32 v8, v14;
	v14 =	vmul.f32 v17, v5;
	v17 =	vld [tilespmem:s26+$0xFFFFFF50]  }
0x296: {  	v31 =	vmul.u32 $0x19, v31;
	v35 =	vcvt.f32.s32 v35;
	v20 =	vmin.f32 v20, $2.450000000e+01;
	v16 =	vld [tilespmem:s4+$0x80]  }
0x297: {  	v32 =	vmul.u32 $0x19, v32;
	v20 =	vtrunc.f32 v20;
	v18 =	vmul.f32 v18, v5  }
0x298: {  	v10 =	vadd.s32 v13, v10;
	v13 =	vmul.u32 $0x19, v11;
	v20 =	vcvt.f32.s32 v20  }
0x299: {  	v21 =	vadd.s32 v51, v21;
	v22 =	vadd.s32 v53, v22;
	v18 =	vadd.f32 $1.250000000e+01, v18  }
0x29a: {  	v6 =	vcvt.s32.f32 v6;
	v20 =	vmul.u32 $0x19, v20;
	v17 =	vmul.f32 v17, v5  }
0x29b: {  	v7 =	vcvt.s32.f32 v7;
	v18 =	vmax.f32 v18, $0.0e+00;
	v16 =	vmul.f32 v16, v5  }
0x29c: {  	v18 =	vmin.f32 v18, $2.450000000e+01;
	v14 =	vadd.f32 $1.250000000e+01, v14;
	v17 =	vadd.f32 $1.250000000e+01, v17  }
0x29d: {  	v18 =	vtrunc.f32 v18;
	[tilespmem:s30+$0xC780] =	vst v7;
	v7 =	vcvt.s32.f32 v10;
	v16 =	vadd.f32 $1.250000000e+01, v16  }
0x29e: {  	v18 =	vcvt.f32.s32 v18;
	v14 =	vmax.f32 v14, $0.0e+00;
	v17 =	vmax.f32 v17, $0.0e+00  }
0x29f: {  	v16 =	vmax.f32 v16, $0.0e+00;
	v14 =	vmin.f32 v14, $2.450000000e+01;
	v17 =	vmin.f32 v17, $2.450000000e+01  }
0x2a0: {  	v16 =	vmin.f32 v16, $2.450000000e+01;
	v14 =	vtrunc.f32 v14;
	v17 =	vtrunc.f32 v17  }
0x2a1: {  	v23 =	vadd.s32 v54, v23;
	v16 =	vtrunc.f32 v16;
	v17 =	vcvt.f32.s32 v17  }
0x2a2: {  	v62 =	vld [tilespmem:s26+$0x90];
	v58 =	vadd.s32 v24, v20;
	v14 =	vcvt.f32.s32 v14;
	v16 =	vcvt.f32.s32 v16  }
0x2a3: {  	v8 =	vcvt.s32.f32 v8;
	v11 =	vadd.s32 v17, v19;
	v19 =	vmul.u32 $0x19, v12  }
0x2a4: {  	v56 =	vadd.s32 v18, v45;
	v14 =	vmul.u32 $0x19, v14;
	v50 =	vmul.u32 $0x19, v16;
	v17 =	vld [tilespmem:s26+$0x80]  }
0x2a5: {  	v16 =	vcvt.f32.s32 v37;
	v12 =	vadd.s32 v33, v13;
	v13 =	vadd.s32 v34, v19;
	v19 =	vld [tilespmem:s26+$0xA0]  }
0x2a6: {  	v20 =	vadd.s32 v55, v48;
	v18 =	vcvt.f32.s32 v43;
	v10 =	vcvt.s32.f32 v56  }
0x2a7: {  	v24 =	vadd.s32 v52, v14;
	v60 =	vadd.s32 v16, v15;
	v33 =	vmul.f32 v62, v5  }
0x2a8: {  	[tilespmem:s30+$0xC700] =	vst v9;
	v9 =	vcvt.s32.f32 v11;
	v12 =	vcvt.s32.f32 v12;
	v34 =	vadd.f32 $1.250000000e+01, v63  }
0x2a9: {  	v11 =	vcvt.s32.f32 v58;
	v33 =	vadd.f32 $1.250000000e+01, v33;
	v13 =	vcvt.s32.f32 v13  }
0x2aa: {  	s29 =	simm.s32 $0xC6C0;
	v34 =	vmax.f32 v34, $0.0e+00;
	v17 =	vmul.f32 v17, v5;
	v19 =	vmul.f32 v19, v5  }
0x2ab: {  	[tilespmem:s29+$0xFFFFFF50] =	vst v9;
	v9 =	vcvt.s32.f32 v60;
	v33 =	vmax.f32 v33, $0.0e+00;
	v34 =	vmin.f32 v34, $2.450000000e+01  }
0x2ac: {  	v33 =	vmin.f32 v33, $2.450000000e+01;
	v17 =	vadd.f32 $1.250000000e+01, v17;
	v19 =	vadd.f32 $1.250000000e+01, v19  }
0x2ad: {  	v14 =	vadd.s32 v61, v30;
	v34 =	vtrunc.f32 v34;
	v33 =	vtrunc.f32 v33  }
0x2ae: {  	v16 =	vcvt.f32.s32 v34;
	v17 =	vmax.f32 v17, $0.0e+00;
	v19 =	vmax.f32 v19, $0.0e+00  }
0x2af: {  	v33 =	vcvt.f32.s32 v33;
	v17 =	vmin.f32 v17, $2.450000000e+01;
	v19 =	vmin.f32 v19, $2.450000000e+01  }
0x2b0: {  	v15 =	vadd.s32 v59, v28;
	v17 =	vtrunc.f32 v17;
	v19 =	vtrunc.f32 v19  }
0x2b1: {  	[tilespmem:s29+$0xB0] =	vst v6;
	v16 =	vadd.s32 v16, v29;
	v62 =	vcvt.f32.s32 v17;
	v63 =	vcvt.f32.s32 v19  }
0x2b2: {  	s31 =	sshll.u32 s25, $0x5;
	[tilespmem:s29+$0xFFFFFF40] =	vst v7;
	v6 =	vadd.s32 v33, v31;
	v17 =	vadd.s32 v35, v27;
	v19 =	vadd.s32 v18, v25  }
0x2b3: {  	s25 =	sor.u32 s7, s31;
	s0 =	simm.s32 $0xA0D0;
	[tilespmem:s30+$0xC680] =	vst v8;
	v18 =	vadd.s32 v57, v26;
	v8 =	vadd.s32 v62, v50;
	v7 =	vadd.s32 v63, v32  }
.LBB2_8:
0x2b4: {  	v25 =	vld [tilespmem:s0+$0xB0];
	[tilespmem:s29+$0xFFFFFF60] =	vst v12;
	v12 =	vcvt.s32.f32 v21;
	v21 =	vcvt.s32.f32 v24  }
0x2b5: {  	s26 =	sadd.s32 $0x190, s26;
	v24 =	vld [tilespmem:s0+$0xFFFFFF40];
	[tilespmem:s29+$0xFFFFFF70] =	vst v13;
	v13 =	vcvt.s32.f32 v22;
	v22 =	vcvt.s32.f32 v23  }
0x2b6: {  	v19 =	vcvt.s32.f32 v19;
	v23 =	vld [tilespmem:s26+$0xB0];
	[tilespmem:s29+$0xFFFFFF80] =	vst v10;
	v10 =	vcvt.s32.f32 v20  }
0x2b7: {  	v17 =	vcvt.s32.f32 v17;
	v20 =	vld [tilespmem:s0+$0xFFFFFF50];
	[tilespmem:s29+$0xFFFFFF90] =	vst v11;
	v11 =	vcvt.s32.f32 v18  }
0x2b8: {  	v18 =	vld [tilespmem:s0+$0xFFFFFF60];
	[tilespmem:s29+$0xFFFFFFA0] =	vst v9;
	v9 =	vcvt.s32.f32 v15;
	v15 =	vcvt.s32.f32 v16  }
0x2b9: {  	v16 =	vld [tilespmem:s0+$0xFFFFFF70];
	v25 =	vmul.f32 v25, v5;
	[tilespmem:s29+$0xFFFFFFB0] =	vst v12;
	v12 =	vcvt.s32.f32 v14  }
0x2ba: {  	v14 =	vmul.f32 v24, v5;
	v24 =	vld [tilespmem:s0+$0xFFFFFF80];
	[tilespmem:s29+$0xFFFFFFD0] =	vst v21;
	v21 =	vcvt.s32.f32 v8  }
0x2bb: {  	s28 =	sadd.s32 $0x190, s28;
	v8 =	vld [tilespmem:s0+$0xFFFFFF90];
	v23 =	vmul.f32 v23, v5;
	v25 =	vadd.f32 $1.250000000e+01, v25;
	[tilespmem:s29+$0xFFFFFFE0] =	vst v13;
	v13 =	vcvt.s32.f32 v6  }
0x2bc: {  	s4 =	sand.u32 $0x3FF0, s28;
	p0 =	slt.u32 s28, $0x2580;
	v6 =	vadd.f32 $1.250000000e+01, v14;
	v14 =	vmul.f32 v20, v5;
	v20 =	vld [tilespmem:s0+$0xFFFFFFA0];
	[tilespmem:s29+$0xFFFFFFF0] =	vst v22;
	v22 =	vcvt.s32.f32 v7  }
0x2bd: {  	v18 =	vmul.f32 v18, v5;
	v23 =	vadd.f32 $1.250000000e+01, v23;
	v25 =	vmax.f32 v25, $0.0e+00;
	v26 =	vld [tilespmem:s4+$0xA000];
	[tilespmem:s29+$0x0] =	vst v10  }
0x2be: {  	v7 =	vadd.f32 $1.250000000e+01, v14;
	v10 =	vmul.f32 v16, v5;
	v14 =	vld [tilespmem:s4+$0x9F00];
	v16 =	vmin.f32 v25, $2.450000000e+01;
	[tilespmem:s29+$0x10] =	vst v19  }
0x2bf: {  	v19 =	vmul.f32 v24, v5;
	v23 =	vmax.f32 v23, $0.0e+00;
	v16 =	vtrunc.f32 v16;
	v24 =	vld [tilespmem:s4+$0x7880];
	[tilespmem:s29+$0x20] =	vst v11  }
0x2c0: {  	v11 =	vmul.f32 v8, v5;
	v25 =	vld [tilespmem:s4+$0x9F80];
	v23 =	vmin.f32 v23, $2.450000000e+01;
	v16 =	vcvt.f32.s32 v16;
	[tilespmem:s29+$0x30] =	vst v17  }
0x2c1: {  	v8 =	vadd.f32 $1.250000000e+01, v18;
	v17 =	vmul.f32 v20, v5;
	v18 =	vld [tilespmem:s4+$0x7780];
	v20 =	vtrunc.f32 v23;
	[tilespmem:s29+$0x50] =	vst v9  }
0x2c2: {  	v23 =	vld [tilespmem:s4+$0x7800];
	v20 =	vcvt.f32.s32 v20;
	v16 =	vmul.u32 $0x19, v16;
	v26 =	vmul.f32 v26, v5;
	[tilespmem:s29+$0x60] =	vst v15  }
0x2c3: {  	v9 =	vadd.f32 $1.250000000e+01, v10;
	v10 =	vadd.f32 $1.250000000e+01, v19;
	v15 =	vld [tilespmem:s0+$0xFFFFFFB0];
	v14 =	vmul.f32 v14, v5;
	[tilespmem:s29+$0x70] =	vst v12  }
0x2c4: {  	v12 =	vld [tilespmem:s0+$0xFFFFFFD0];
	v16 =	vadd.s32 v20, v16;
	v19 =	vmul.f32 v24, v5;
	v20 =	vadd.f32 $1.250000000e+01, v26;
	[tilespmem:s29+$0x80] =	vst v21  }
0x2c5: {  	v14 =	vadd.f32 $1.250000000e+01, v14;
	v21 =	vld [tilespmem:s0+$0xFFFFFFE0];
	v24 =	vmul.f32 v25, v5;
	v16 =	vcvt.s32.f32 v16;
	[tilespmem:s29+$0x90] =	vst v13  }
0x2c6: {  	v13 =	vmul.f32 v18, v5;
	v18 =	vld [tilespmem:s0+$0xFFFFFFF0];
	v19 =	vadd.f32 $1.250000000e+01, v19;
	v20 =	vmax.f32 v20, $0.0e+00;
	[tilespmem:s29+$0xA0] =	vst v22  }
0x2c7: {  	v22 =	vld [tilespmem:s0+$0x0];
	v23 =	vmul.f32 v23, v5;
	v24 =	vadd.f32 $1.250000000e+01, v24;
	v20 =	vmin.f32 v20, $2.450000000e+01  }
0x2c8: {  	v14 =	vmax.f32 v14, $0.0e+00;
	v25 =	vld [tilespmem:s0+$0x10];
	v19 =	vmax.f32 v19, $0.0e+00;
	v20 =	vtrunc.f32 v20  }
0x2c9: {  	v26 =	vld [tilespmem:s0+$0x20];
	v24 =	vmax.f32 v24, $0.0e+00;
	v19 =	vmin.f32 v19, $2.450000000e+01;
	v20 =	vcvt.f32.s32 v20  }
0x2ca: {  	v13 =	vadd.f32 $1.250000000e+01, v13;
	v23 =	vadd.f32 $1.250000000e+01, v23;
	v27 =	vld [tilespmem:s0+$0x30];
	v19 =	vtrunc.f32 v19  }
0x2cb: {  	v14 =	vmin.f32 v14, $2.450000000e+01;
	v28 =	vld [tilespmem:s0+$0x50];
	v19 =	vcvt.f32.s32 v19;
	v20 =	vmul.u32 $0x19, v20  }
0x2cc: {  	v14 =	vtrunc.f32 v14;
	v13 =	vmax.f32 v13, $0.0e+00;
	v24 =	vmin.f32 v24, $2.450000000e+01;
	v29 =	vld [tilespmem:s0+$0x60]  }
0x2cd: {  	v23 =	vmax.f32 v23, $0.0e+00;
	v24 =	vtrunc.f32 v24;
	v30 =	vld [tilespmem:s0+$0x70];
	v19 =	vadd.s32 v19, v20  }
0x2ce: {  	s29 =	sadd.s32 $0x190, s29;
	v14 =	vcvt.f32.s32 v14;
	v13 =	vmin.f32 v13, $2.450000000e+01;
	v20 =	vld [tilespmem:s0+$0x80];
	v19 =	vcvt.s32.f32 v19  }
0x2cf: {  	v13 =	vtrunc.f32 v13;
	v23 =	vmin.f32 v23, $2.450000000e+01;
	v24 =	vcvt.f32.s32 v24;
	v31 =	vld [tilespmem:s0+$0x90];
	[tilespmem:s29+$0xB0] =	vst v16  }
0x2d0: {  	v14 =	vmul.u32 $0x19, v14;
	v13 =	vcvt.f32.s32 v13;
	v16 =	vtrunc.f32 v23;
	v23 =	vld [tilespmem:s0+$0xA0];
	[tilespmem:s4+$0xC780] =	vst v19  }
0x2d1: {  	v15 =	vmul.f32 v15, v5;
	v24 =	vmul.u32 $0x19, v24;
	v16 =	vcvt.f32.s32 v16;
	v19 =	vld [tilespmem:s26+$0xFFFFFF40]  }
0x2d2: {  	v12 =	vmul.f32 v12, v5;
	v13 =	vadd.s32 v13, v14;
	v14 =	vmul.f32 v21, v5;
	v32 =	vld [tilespmem:s26+$0xFFFFFF50]  }
0x2d3: {  	v18 =	vmul.f32 v18, v5;
	v13 =	vcvt.s32.f32 v13;
	v16 =	vadd.s32 v16, v24;
	v21 =	vld [tilespmem:s26+$0xFFFFFF60]  }
0x2d4: {  	v11 =	vadd.f32 $1.250000000e+01, v11;
	v22 =	vmul.f32 v22, v5;
	v16 =	vcvt.s32.f32 v16;
	v24 =	vld [tilespmem:s26+$0xFFFFFF70]  }
0x2d5: {  	v17 =	vadd.f32 $1.250000000e+01, v17;
	v33 =	vld [tilespmem:s26+$0xFFFFFF80];
	[tilespmem:s4+$0xC680] =	vst v13;
	v13 =	vmul.f32 v25, v5;
	v25 =	vmul.f32 v26, v5  }
0x2d6: {  	v15 =	vadd.f32 $1.250000000e+01, v15;
	v27 =	vmul.f32 v27, v5;
	v26 =	vld [tilespmem:s26+$0xFFFFFF90];
	[tilespmem:s4+$0xC700] =	vst v16;
	v16 =	vmul.f32 v28, v5  }
0x2d7: {  	v12 =	vadd.f32 $1.250000000e+01, v12;
	v29 =	vmul.f32 v29, v5;
	v30 =	vmul.f32 v30, v5;
	v28 =	vld [tilespmem:s26+$0xFFFFFFA0]  }
0x2d8: {  	v14 =	vadd.f32 $1.250000000e+01, v14;
	v20 =	vmul.f32 v20, v5;
	v31 =	vmul.f32 v31, v5;
	v34 =	vld [tilespmem:s26+$0xFFFFFFB0]  }
0x2d9: {  	v18 =	vadd.f32 $1.250000000e+01, v18;
	v22 =	vadd.f32 $1.250000000e+01, v22;
	v23 =	vmul.f32 v23, v5;
	v35 =	vld [tilespmem:s26+$0xFFFFFFD0]  }
0x2da: {  	v19 =	vmul.f32 v19, v5;
	v13 =	vadd.f32 $1.250000000e+01, v13;
	v25 =	vadd.f32 $1.250000000e+01, v25;
	v36 =	vld [tilespmem:s26+$0xFFFFFFE0]  }
0x2db: {  	v27 =	vadd.f32 $1.250000000e+01, v27;
	v32 =	vmul.f32 v32, v5;
	v16 =	vadd.f32 $1.250000000e+01, v16;
	v37 =	vld [tilespmem:s26+$0xFFFFFFF0]  }
0x2dc: {  	v29 =	vadd.f32 $1.250000000e+01, v29;
	v30 =	vadd.f32 $1.250000000e+01, v30;
	v21 =	vmul.f32 v21, v5;
	v38 =	vld [tilespmem:s26+$0x0]  }
0x2dd: {  	v20 =	vadd.f32 $1.250000000e+01, v20;
	v31 =	vadd.f32 $1.250000000e+01, v31;
	v24 =	vmul.f32 v24, v5;
	v39 =	vld [tilespmem:s26+$0x10]  }
0x2de: {  	v23 =	vadd.f32 $1.250000000e+01, v23;
	v33 =	vmul.f32 v33, v5;
	v26 =	vmul.f32 v26, v5;
	v40 =	vld [tilespmem:s26+$0x20]  }
0x2df: {  	v6 =	vmax.f32 v6, $0.0e+00;
	v28 =	vmul.f32 v28, v5;
	v34 =	vmul.f32 v34, v5;
	v41 =	vld [tilespmem:s26+$0x30]  }
0x2e0: {  	v7 =	vmax.f32 v7, $0.0e+00;
	v35 =	vmul.f32 v35, v5;
	v36 =	vmul.f32 v36, v5;
	v42 =	vld [tilespmem:s26+$0x50]  }
0x2e1: {  	v8 =	vmax.f32 v8, $0.0e+00;
	v37 =	vmul.f32 v37, v5;
	v38 =	vmul.f32 v38, v5;
	v43 =	vld [tilespmem:s26+$0x60]  }
0x2e2: {  	v9 =	vmax.f32 v9, $0.0e+00;
	v10 =	vmax.f32 v10, $0.0e+00;
	v39 =	vmul.f32 v39, v5;
	v44 =	vld [tilespmem:s26+$0x70]  }
0x2e3: {  	v11 =	vmax.f32 v11, $0.0e+00;
	v17 =	vmax.f32 v17, $0.0e+00;
	v40 =	vmul.f32 v40, v5;
	v45 =	vld [tilespmem:s26+$0x80]  }
0x2e4: {  	v15 =	vmax.f32 v15, $0.0e+00;
	v12 =	vmax.f32 v12, $0.0e+00;
	v41 =	vmul.f32 v41, v5;
	v46 =	vld [tilespmem:s26+$0x90]  }
0x2e5: {  	v18 =	vmax.f32 v18, $0.0e+00;
	v14 =	vmax.f32 v14, $0.0e+00;
	v42 =	vmul.f32 v42, v5;
	v47 =	vld [tilespmem:s26+$0xA0]  }
0x2e6: {  	v22 =	vmax.f32 v22, $0.0e+00;
	v13 =	vmax.f32 v13, $0.0e+00;
	v43 =	vmul.f32 v43, v5  }
0x2e7: {  	v27 =	vmax.f32 v27, $0.0e+00;
	v25 =	vmax.f32 v25, $0.0e+00;
	v44 =	vmul.f32 v44, v5  }
0x2e8: {  	v29 =	vmax.f32 v29, $0.0e+00;
	v16 =	vmax.f32 v16, $0.0e+00;
	v45 =	vmul.f32 v45, v5  }
0x2e9: {  	v30 =	vmax.f32 v30, $0.0e+00;
	v20 =	vmax.f32 v20, $0.0e+00;
	v46 =	vmul.f32 v46, v5  }
0x2ea: {  	v31 =	vmax.f32 v31, $0.0e+00;
	v23 =	vmax.f32 v23, $0.0e+00;
	v47 =	vmul.f32 v47, v5  }
0x2eb: {  	v6 =	vmin.f32 v6, $2.450000000e+01;
	v19 =	vadd.f32 $1.250000000e+01, v19;
	v32 =	vadd.f32 $1.250000000e+01, v32  }
0x2ec: {  	v7 =	vmin.f32 v7, $2.450000000e+01;
	v21 =	vadd.f32 $1.250000000e+01, v21;
	v24 =	vadd.f32 $1.250000000e+01, v24  }
0x2ed: {  	v8 =	vmin.f32 v8, $2.450000000e+01;
	v33 =	vadd.f32 $1.250000000e+01, v33;
	v26 =	vadd.f32 $1.250000000e+01, v26  }
0x2ee: {  	v9 =	vmin.f32 v9, $2.450000000e+01;
	v28 =	vadd.f32 $1.250000000e+01, v28;
	v34 =	vadd.f32 $1.250000000e+01, v34  }
0x2ef: {  	v10 =	vmin.f32 v10, $2.450000000e+01;
	v35 =	vadd.f32 $1.250000000e+01, v35;
	v36 =	vadd.f32 $1.250000000e+01, v36  }
0x2f0: {  	v11 =	vmin.f32 v11, $2.450000000e+01;
	v37 =	vadd.f32 $1.250000000e+01, v37;
	v38 =	vadd.f32 $1.250000000e+01, v38  }
0x2f1: {  	v17 =	vmin.f32 v17, $2.450000000e+01;
	v39 =	vadd.f32 $1.250000000e+01, v39;
	v40 =	vadd.f32 $1.250000000e+01, v40  }
0x2f2: {  	v15 =	vmin.f32 v15, $2.450000000e+01;
	v41 =	vadd.f32 $1.250000000e+01, v41;
	v42 =	vadd.f32 $1.250000000e+01, v42  }
0x2f3: {  	v12 =	vmin.f32 v12, $2.450000000e+01;
	v43 =	vadd.f32 $1.250000000e+01, v43;
	v44 =	vadd.f32 $1.250000000e+01, v44  }
0x2f4: {  	v14 =	vmin.f32 v14, $2.450000000e+01;
	v45 =	vadd.f32 $1.250000000e+01, v45;
	v46 =	vadd.f32 $1.250000000e+01, v46  }
0x2f5: {  	v18 =	vmin.f32 v18, $2.450000000e+01;
	v22 =	vmin.f32 v22, $2.450000000e+01;
	v47 =	vadd.f32 $1.250000000e+01, v47  }
0x2f6: {  	v27 =	vmin.f32 v27, $2.450000000e+01;
	v13 =	vmin.f32 v13, $2.450000000e+01;
	v25 =	vmin.f32 v25, $2.450000000e+01  }
0x2f7: {  	v29 =	vmin.f32 v29, $2.450000000e+01;
	v30 =	vmin.f32 v30, $2.450000000e+01;
	v16 =	vmin.f32 v16, $2.450000000e+01  }
0x2f8: {  	v20 =	vmin.f32 v20, $2.450000000e+01;
	v31 =	vmin.f32 v31, $2.450000000e+01;
	v23 =	vmin.f32 v23, $2.450000000e+01  }
0x2f9: {  	v6 =	vtrunc.f32 v6;
	v7 =	vtrunc.f32 v7;
	v19 =	vmax.f32 v19, $0.0e+00  }
0x2fa: {  	v8 =	vtrunc.f32 v8;
	v9 =	vtrunc.f32 v9;
	v32 =	vmax.f32 v32, $0.0e+00  }
0x2fb: {  	v10 =	vtrunc.f32 v10;
	v11 =	vtrunc.f32 v11;
	v21 =	vmax.f32 v21, $0.0e+00  }
0x2fc: {  	v17 =	vtrunc.f32 v17;
	v15 =	vtrunc.f32 v15;
	v24 =	vmax.f32 v24, $0.0e+00  }
0x2fd: {  	v12 =	vtrunc.f32 v12;
	v14 =	vtrunc.f32 v14;
	v33 =	vmax.f32 v33, $0.0e+00  }
0x2fe: {  	v18 =	vtrunc.f32 v18;
	v22 =	vtrunc.f32 v22;
	v26 =	vmax.f32 v26, $0.0e+00  }
0x2ff: {  	v13 =	vtrunc.f32 v13;
	v25 =	vtrunc.f32 v25;
	v28 =	vmax.f32 v28, $0.0e+00  }
0x300: {  	v27 =	vtrunc.f32 v27;
	v16 =	vtrunc.f32 v16;
	v34 =	vmax.f32 v34, $0.0e+00  }
0x301: {  	v29 =	vtrunc.f32 v29;
	v30 =	vtrunc.f32 v30;
	v35 =	vmax.f32 v35, $0.0e+00  }
0x302: {  	v20 =	vtrunc.f32 v20;
	v31 =	vtrunc.f32 v31;
	v36 =	vmax.f32 v36, $0.0e+00  }
0x303: {  	v23 =	vtrunc.f32 v23;
	v37 =	vmax.f32 v37, $0.0e+00;
	v38 =	vmax.f32 v38, $0.0e+00  }
0x304: {  	v39 =	vmax.f32 v39, $0.0e+00;
	v40 =	vmax.f32 v40, $0.0e+00;
	v41 =	vmax.f32 v41, $0.0e+00  }
0x305: {  	v42 =	vmax.f32 v42, $0.0e+00;
	v43 =	vmax.f32 v43, $0.0e+00;
	v44 =	vmax.f32 v44, $0.0e+00  }
0x306: {  	v45 =	vmax.f32 v45, $0.0e+00;
	v46 =	vmax.f32 v46, $0.0e+00;
	v47 =	vmax.f32 v47, $0.0e+00  }
0x307: {  	v6 =	vcvt.f32.s32 v6;
	v7 =	vcvt.f32.s32 v7;
	v19 =	vmin.f32 v19, $2.450000000e+01  }
0x308: {  	v8 =	vcvt.f32.s32 v8;
	v9 =	vcvt.f32.s32 v9;
	v32 =	vmin.f32 v32, $2.450000000e+01  }
0x309: {  	v10 =	vcvt.f32.s32 v10;
	v11 =	vcvt.f32.s32 v11;
	v21 =	vmin.f32 v21, $2.450000000e+01  }
0x30a: {  	v17 =	vcvt.f32.s32 v17;
	v15 =	vcvt.f32.s32 v15;
	v24 =	vmin.f32 v24, $2.450000000e+01  }
0x30b: {  	v12 =	vcvt.f32.s32 v12;
	v14 =	vcvt.f32.s32 v14;
	v33 =	vmin.f32 v33, $2.450000000e+01  }
0x30c: {  	v18 =	vcvt.f32.s32 v18;
	v22 =	vcvt.f32.s32 v22;
	v26 =	vmin.f32 v26, $2.450000000e+01  }
0x30d: {  	v13 =	vcvt.f32.s32 v13;
	v25 =	vcvt.f32.s32 v25;
	v28 =	vmin.f32 v28, $2.450000000e+01  }
0x30e: {  	v27 =	vcvt.f32.s32 v27;
	v16 =	vcvt.f32.s32 v16;
	v34 =	vmin.f32 v34, $2.450000000e+01  }
0x30f: {  	v29 =	vcvt.f32.s32 v29;
	v30 =	vcvt.f32.s32 v30;
	v35 =	vmin.f32 v35, $2.450000000e+01  }
0x310: {  	v20 =	vcvt.f32.s32 v20;
	v31 =	vcvt.f32.s32 v31;
	v36 =	vmin.f32 v36, $2.450000000e+01  }
0x311: {  	v23 =	vcvt.f32.s32 v23;
	v37 =	vmin.f32 v37, $2.450000000e+01;
	v38 =	vmin.f32 v38, $2.450000000e+01  }
0x312: {  	v39 =	vmin.f32 v39, $2.450000000e+01;
	v40 =	vmin.f32 v40, $2.450000000e+01;
	v41 =	vmin.f32 v41, $2.450000000e+01  }
0x313: {  	v42 =	vmin.f32 v42, $2.450000000e+01;
	v43 =	vmin.f32 v43, $2.450000000e+01;
	v44 =	vmin.f32 v44, $2.450000000e+01  }
0x314: {  	v45 =	vmin.f32 v45, $2.450000000e+01;
	v46 =	vmin.f32 v46, $2.450000000e+01;
	v47 =	vmin.f32 v47, $2.450000000e+01  }
0x315: {  	v6 =	vmul.u32 $0x19, v6;
	v19 =	vtrunc.f32 v19;
	v32 =	vtrunc.f32 v32  }
0x316: {  	v7 =	vmul.u32 $0x19, v7;
	v21 =	vtrunc.f32 v21;
	v24 =	vtrunc.f32 v24  }
0x317: {  	v8 =	vmul.u32 $0x19, v8;
	v33 =	vtrunc.f32 v33;
	v26 =	vtrunc.f32 v26  }
0x318: {  	v9 =	vmul.u32 $0x19, v9;
	v28 =	vtrunc.f32 v28;
	v34 =	vtrunc.f32 v34  }
0x319: {  	v10 =	vmul.u32 $0x19, v10;
	v35 =	vtrunc.f32 v35;
	v36 =	vtrunc.f32 v36  }
0x31a: {  	v11 =	vmul.u32 $0x19, v11;
	v37 =	vtrunc.f32 v37;
	v38 =	vtrunc.f32 v38  }
0x31b: {  	v17 =	vmul.u32 $0x19, v17;
	v39 =	vtrunc.f32 v39;
	v40 =	vtrunc.f32 v40  }
0x31c: {  	v15 =	vmul.u32 $0x19, v15;
	v41 =	vtrunc.f32 v41;
	v42 =	vtrunc.f32 v42  }
0x31d: {  	v12 =	vmul.u32 $0x19, v12;
	v43 =	vtrunc.f32 v43;
	v44 =	vtrunc.f32 v44  }
0x31e: {  	v14 =	vmul.u32 $0x19, v14;
	v45 =	vtrunc.f32 v45;
	v46 =	vtrunc.f32 v46  }
0x31f: {  	v18 =	vmul.u32 $0x19, v18;
	v48 =	vmul.u32 $0x19, v22;
	v47 =	vtrunc.f32 v47  }
0x320: {  	v27 =	vmul.u32 $0x19, v27;
	v13 =	vmul.u32 $0x19, v13;
	v25 =	vmul.u32 $0x19, v25  }
0x321: {  	v29 =	vmul.u32 $0x19, v29;
	v30 =	vmul.u32 $0x19, v30;
	v16 =	vmul.u32 $0x19, v16  }
0x322: {  	v49 =	vmul.u32 $0x19, v20;
	v31 =	vmul.u32 $0x19, v31;
	v50 =	vmul.u32 $0x19, v23  }
0x323: {  	v19 =	vcvt.f32.s32 v19;
	v20 =	vcvt.f32.s32 v32  }
0x324: {  	v21 =	vcvt.f32.s32 v21;
	v22 =	vcvt.f32.s32 v24  }
0x325: {  	v6 =	vadd.s32 v19, v6;
	v19 =	vcvt.f32.s32 v33;
	v23 =	vcvt.f32.s32 v26  }
0x326: {  	v26 =	vadd.s32 v20, v7;
	v7 =	vcvt.f32.s32 v28;
	v20 =	vcvt.f32.s32 v34  }
0x327: {  	v28 =	vadd.s32 v21, v8;
	v8 =	vcvt.f32.s32 v35;
	v32 =	vcvt.f32.s32 v36  }
0x328: {  	v9 =	vadd.s32 v22, v9;
	v33 =	vcvt.f32.s32 v37;
	v34 =	vcvt.f32.s32 v38  }
0x329: {  	v10 =	vadd.s32 v19, v10;
	v19 =	vcvt.f32.s32 v39;
	v35 =	vcvt.f32.s32 v40  }
0x32a: {  	v11 =	vadd.s32 v23, v11;
	v36 =	vcvt.f32.s32 v41;
	v37 =	vcvt.f32.s32 v42  }
0x32b: {  	v38 =	vadd.s32 v7, v17;
	v7 =	vcvt.f32.s32 v43;
	v39 =	vcvt.f32.s32 v44  }
0x32c: {  	v21 =	vadd.s32 v20, v15;
	v40 =	vcvt.f32.s32 v45;
	v41 =	vcvt.f32.s32 v46  }
0x32d: {  	v24 =	vadd.s32 v8, v12;
	v22 =	vadd.s32 v32, v14;
	v12 =	vcvt.f32.s32 v47  }
0x32e: {  	v23 =	vadd.s32 v33, v18;
	v20 =	vadd.s32 v34, v48;
	v19 =	vadd.s32 v19, v13  }
0x32f: {  	v18 =	vadd.s32 v35, v25;
	v17 =	vadd.s32 v36, v27;
	v15 =	vadd.s32 v37, v16  }
.Ltmp7:
0x330: {  	v16 =	vadd.s32 v7, v29;
	v14 =	vadd.s32 v39, v30;
	v8 =	vadd.s32 v40, v49;
	(pc) =	sbr.rel @p0 .LBB2_8-.Ltmp7, $4  }
0x331: {  	v13 =	vcvt.s32.f32 v6;
	v6 =	vadd.s32 v41, v31;
	v7 =	vadd.s32 v12, v50  }
0x332: {  	v25 =	vcvt.s32.f32 v26;
	v12 =	vcvt.s32.f32 v28  }
0x333: {  	v10 =	vcvt.s32.f32 v10;
	[tilespmem:s29+$0xFFFFFF40] =	vst v13;
	v13 =	vcvt.s32.f32 v9  }
0x334: {  	s0 =	sadd.s32 $0x190, s0;
	v11 =	vcvt.s32.f32 v11;
	v9 =	vcvt.s32.f32 v38;
	[tilespmem:s29+$0xFFFFFF50] =	vst v25  }
0x335: {  	[tilespmem:s29+$0xFFFFFF60] =	vst v12  }
0x336: {  	[tilespmem:s29+$0xFFFFFF70] =	vst v13  }
0x337: {  	[tilespmem:s29+$0xFFFFFF80] =	vst v10  }
0x338: {  	v53 =	vcvt.s32.f32 v21;
	[tilespmem:s29+$0xFFFFFF90] =	vst v11  }
0x339: {  	v54 =	vcvt.s32.f32 v24;
	[tilespmem:s29+$0xFFFFFFA0] =	vst v9  }
0x33a: {  	v55 =	vcvt.s32.f32 v22;
	[tilespmem:s29+$0xFFFFFFB0] =	vst v53  }
0x33b: {  	v56 =	vcvt.s32.f32 v23;
	[tilespmem:s29+$0xFFFFFFD0] =	vst v54  }
0x33c: {  	v57 =	vcvt.s32.f32 v20;
	[tilespmem:s29+$0xFFFFFFE0] =	vst v55  }
0x33d: {  	v58 =	vcvt.s32.f32 v19;
	[tilespmem:s29+$0xFFFFFFF0] =	vst v56  }
0x33e: {  	v59 =	vcvt.s32.f32 v18;
	[tilespmem:s29+$0x0] =	vst v57  }
0x33f: {  	v60 =	vcvt.s32.f32 v17;
	[tilespmem:s29+$0x10] =	vst v58  }
0x340: {  	v61 =	vcvt.s32.f32 v15;
	[tilespmem:s29+$0x20] =	vst v59  }
0x341: {  	v62 =	vcvt.s32.f32 v16;
	[tilespmem:s29+$0x30] =	vst v60  }
0x342: {  	v63 =	vcvt.s32.f32 v14;
	[tilespmem:s29+$0x50] =	vst v61  }
0x343: {  	v8 =	vcvt.s32.f32 v8;
	[tilespmem:s29+$0x60] =	vst v62  }
.Ltmp8:
0x344: {  	v6 =	vcvt.s32.f32 v6;
	[tilespmem:s29+$0x70] =	vst v63;
	(pc) =	sbr.rel .LBB2_10-.Ltmp8, $4  }
0x345: {  	v7 =	vcvt.s32.f32 v7;
	s0 =	smul.u32 $0x4E2, s25;
	[tilespmem:s29+$0x80] =	vst v8  }
0x346: {  	[tilespmem:s29+$0x90] =	vst v6  }
0x347: {  	[tilespmem:s29+$0xA0] =	vst v7;
	s0 =	sadd.s32 s2, s0  }
0x348: {  	[hbm4b:s0+s3] =	stream.linear.scatter [tilespmem:s20], [sflag:$0x6], $0x2710, $0x38;
	[tilespmem:$0xED80] =	vst v63  }
.LBB2_12:
0x349: {  	_ =	sfence.sel $0x180000  }
0x34a: {  	[bflag:$0x0] =	sbarrier.arrive $0xFFFF  }
0x34b: {  	_ =	strace $0x90000047  }
0x34c: {  	s0 =	stileid.u32;
	[bflag:$0x2] =	sbarrier.arrive $0xFFFF  }
0x34d: {  	p0 =	sne.s32 s0, $0x0;
	s0 =	rddreg [dreg:$0x2]  }
0x34e: {  	s0 =	sadd.s32 @!p0 $0x100000, s0  }
0x34f: {  	[sflag:s0] =	ssyncadd.tile.s32 @!p0 $0x1;
	_ =	shalt  }
.Lfunc_end2:
_tile_overlayer_lowered:
.L_overlay_start_2:
0x350: {  	(tag) =	ssettag $0x2  }
0x351: {  	s0 =	rddreg [dreg:$0x0];
	s2 =	stileid.u32  }
0x352: {  	s1 =	rddreg [dreg:$0x1];
	p0 =	sne.s32 s2, $0x0  }
0x353: {  	s3 =	rddreg [dreg:$0x2];
	[bflag:$0x3] =	sbarrier.arrive $0xFFFF;
	s2 =	simm.s32 @!p0 $0x1C07  }
0x354: {  	[timem:s3], [sflag:s2] =	dma.local @!p0 [hbm:s0], s1  }
0x355: {  	s0 =	simm.s32 @!p0 $0x7  }
0x356: {  	_ =	swait.ge @!p0 [sflag:s0], s1  }
0x357: {  	s1 =	ssub.s32 @!p0 $0x0, s1;
	[sflag:s0] =	ssyncset.done @!p0 $0x0  }
0x358: {  	[sflag:s0] =	ssyncadd.s32 @!p0 s1  }
0x359: {  	[bflag:$0x3] =	sbarrier.arrive $0xFFFF  }
0x35a: {  	_ =	shalt  }

</sc_bundles>
